<compile_context>
chip_gen: v7x
topology: tpu7x:2x2x1
jax: 0.10.2.dev20260603
libtpu: 0.0.44.dev20260713+nightly
codegen_flags: <defaults>
</compile_context>

<pallas_src>
import functools

import jax
import jax.numpy as jnp
from jax import lax
from jax.experimental import pallas as pl
from jax.experimental.pallas import tpu as pltpu
from jax.experimental.pallas import tpu_sc as plsc

N = 10000
D = 128
E = 320000
NC, NS = 2, 16
NW = NC * NS
CH = 128
TCH = E // CH
CPW = TCH // NW
XTRA = TCH - NW * CPW
G = 26
NPAD = 10240
RPT = NPAD // NS


def _sc_segment_sum(x, e):
    mesh = plsc.VectorSubcoreMesh(core_axis_name="c", subcore_axis_name="s")

    @functools.partial(
        pl.kernel,
        mesh=mesh,
        out_type=jax.ShapeDtypeStruct((NC, NPAD, D), jnp.float32),
        scratch_types=[
            pltpu.VMEM((G * CH,), jnp.int32),
            pltpu.VMEM((G * CH,), jnp.int32),
            pltpu.VMEM((2, CH, D), jnp.float32),
            pltpu.VMEM_SHARED((NPAD, D), jnp.float32),
            pltpu.SemaphoreType.DMA,
            pltpu.SemaphoreType.DMA,
            pltpu.SemaphoreType.DMA,
            pltpu.SemaphoreType.DMA,
        ],
    )
    def k(x_hbm, e_hbm, out_hbm, src_v, dst_v, bufs, acc, g0, g1, s0, s1):
        c = lax.axis_index("c")
        s = lax.axis_index("s")
        w = c * NS + s
        base = (w * CPW + jnp.minimum(w, XTRA)) * CH

        @pl.loop(0, CH)
        def _(r):
            @pl.loop(0, D, step=16)
            def _(j):
                bufs[0, r, pl.ds(j, 16)] = jnp.zeros((16,), jnp.float32)

        @pl.loop(0, RPT // CH)
        def _(i):
            pltpu.sync_copy(bufs.at[0], acc.at[pl.ds(s * RPT + i * CH, CH)])

        plsc.subcore_barrier()

        def do_pair(t):
            ga = pltpu.async_copy(
                x_hbm.at[src_v.at[pl.ds(t * CH, CH)]], bufs.at[0], g0)
            gb = pltpu.async_copy(
                x_hbm.at[src_v.at[pl.ds((t + 1) * CH, CH)]], bufs.at[1], g1)
            ga.wait()
            pa = pltpu.async_copy(
                bufs.at[0], acc.at[dst_v.at[pl.ds(t * CH, CH)]], s0, add=True)
            gb.wait()
            pb = pltpu.async_copy(
                bufs.at[1], acc.at[dst_v.at[pl.ds((t + 1) * CH, CH)]], s1,
                add=True)
            pa.wait()
            pb.wait()

        @pl.loop(0, CPW // G)
        def _(g):
            off = base + g * (G * CH)
            pltpu.sync_copy(e_hbm.at[0].at[pl.ds(off, G * CH)], src_v)
            pltpu.sync_copy(e_hbm.at[1].at[pl.ds(off, G * CH)], dst_v)

            @pl.loop(0, G, step=2)
            def _(t):
                do_pair(t)

        @pl.when(w < XTRA)
        def _():
            off = base + CPW * CH
            pltpu.sync_copy(e_hbm.at[0].at[pl.ds(off, CH)],
                            src_v.at[pl.ds(0, CH)])
            pltpu.sync_copy(e_hbm.at[1].at[pl.ds(off, CH)],
                            dst_v.at[pl.ds(0, CH)])
            ga = pltpu.async_copy(
                x_hbm.at[src_v.at[pl.ds(0, CH)]], bufs.at[0], g0)
            ga.wait()
            pa = pltpu.async_copy(
                bufs.at[0], acc.at[dst_v.at[pl.ds(0, CH)]], s0, add=True)
            pa.wait()

        plsc.subcore_barrier()
        pltpu.sync_copy(acc.at[pl.ds(s * RPT, RPT)],
                        out_hbm.at[c].at[pl.ds(s * RPT, RPT)])

    return k(x, e)


def _tc_fused_mlp(x, p, W1, b1, W2, b2, eta, g, bt):
    BR = 5000

    def body(x_ref, p_ref, w1_ref, b1_ref, w2_ref, b2_ref,
             eta_ref, g_ref, bt_ref, o_ref):
        xb = x_ref[...]
        h = (1.0 + eta_ref[0, 0]) * xb + p_ref[0] + p_ref[1]
        h = jnp.maximum(
            jnp.dot(h, w1_ref[...], preferred_element_type=jnp.float32)
            + b1_ref[...], 0.0)
        h = jnp.maximum(
            jnp.dot(h, w2_ref[...], preferred_element_type=jnp.float32)
            + b2_ref[...], 0.0)
        m = jnp.mean(h, axis=-1, keepdims=True)
        d = h - m
        v = jnp.mean(d * d, axis=-1, keepdims=True)
        h = d * lax.rsqrt(v + 1e-5) * g_ref[...] + bt_ref[...]
        o_ref[...] = h + xb

    return pl.pallas_call(
        body,
        grid=(N // BR,),
        in_specs=[
            pl.BlockSpec((BR, D), lambda i: (i, 0)),
            pl.BlockSpec((2, BR, D), lambda i: (0, i, 0)),
            pl.BlockSpec((D, D), lambda i: (0, 0)),
            pl.BlockSpec((1, D), lambda i: (0, 0)),
            pl.BlockSpec((D, D), lambda i: (0, 0)),
            pl.BlockSpec((1, D), lambda i: (0, 0)),
            pl.BlockSpec((1, 1), lambda i: (0, 0)),
            pl.BlockSpec((1, D), lambda i: (0, 0)),
            pl.BlockSpec((1, D), lambda i: (0, 0)),
        ],
        out_specs=pl.BlockSpec((BR, D), lambda i: (i, 0)),
        out_shape=jax.ShapeDtypeStruct((N, D), jnp.float32),
    )(x, p, W1, b1.reshape(1, D), W2, b2.reshape(1, D), eta,
      g.reshape(1, D), bt.reshape(1, D))


def kernel(node_features, edge_index, W1, b1, W2, b2, eta, ln_gamma, ln_beta):
    x = node_features
    e = edge_index.astype(jnp.int32)
    p = _sc_segment_sum(x, e)
    return _tc_fused_mlp(x, p, W1, b1, W2, b2, eta, ln_gamma, ln_beta)

# --- scband reference (transcript-rebuilt; emitter-appended) ---
"""Pipeline reference for scband-ginlayer-53463752901319 (READ-ONLY COPY).

The authoritative reference and input builder live on the scoring server;
editing this copy changes nothing except your own understanding.
"""

import jax, jax.numpy as jnp
import numpy as np

N_NODES = 10000
N_EDGES = 320000
D_IN = 128
D_HID = 128

def setup_inputs(seed: int = 0) -> dict:
    key = jax.random.key(seed)
    k1, k2, k3, k4, k5, k6 = jax.random.split(key, 6)
    node_features = jax.random.normal(k1, (N_NODES, D_IN), dtype=jnp.float32)
    edge_index = jax.random.randint(k2, (2, N_EDGES), 0, N_NODES, dtype=jnp.int64)
    # MLP params (Linear stores weight as [out, in]; we keep [in, out] for jnp matmul)
    lim1 = 1.0 / np.sqrt(D_IN)
    W1 = jax.random.uniform(k3, (D_IN, D_HID), dtype=jnp.float32, minval=-lim1, maxval=lim1)
    b1 = jnp.zeros((D_HID,), dtype=jnp.float32)
    lim2 = 1.0 / np.sqrt(D_HID)
    W2 = jax.random.uniform(k4, (D_HID, D_HID), dtype=jnp.float32, minval=-lim2, maxval=lim2)
    b2 = jnp.zeros((D_HID,), dtype=jnp.float32)
    # eta: xavier_uniform on (1,1) -> bound = sqrt(6/(1+1)) = sqrt(3)
    eta = jax.random.uniform(k5, (1, 1), dtype=jnp.float32, minval=-np.sqrt(3.0), maxval=np.sqrt(3.0))
    ln_gamma = jnp.ones((D_HID,), dtype=jnp.float32)
    ln_beta = jnp.zeros((D_HID,), dtype=jnp.float32)
    return {"node_features": node_features, "edge_index": edge_index, "W1": W1, "b1": b1, "W2": W2, "b2": b2, "eta": eta, "ln_gamma": ln_gamma, "ln_beta": ln_beta}

def _layernorm(x, gamma, beta, eps=1e-5):
    mean = jnp.mean(x, axis=-1, keepdims=True)
    var = jnp.mean(jnp.square(x - mean), axis=-1, keepdims=True)
    return (x - mean) / jnp.sqrt(var + eps) * gamma + beta

def reference(node_features, edge_index, W1, b1, W2, b2, eta, ln_gamma, ln_beta):
    initial_features = node_features
    # gather source node features per edge
    hu = node_features[edge_index[0]]
    # scatter-add into destination nodes
    sum_hu = jax.ops.segment_sum(hu, edge_index[1], num_segments=node_features.shape[0])
    h = (1.0 + eta) * node_features + sum_hu
    # MLP: Linear -> ReLU -> Linear -> ReLU
    h = jax.nn.relu(h @ W1 + b1)
    h = jax.nn.relu(h @ W2 + b2)
    # outer relu from forward
    h = jax.nn.relu(h)
    # dropout p=0.0 is identity; layer norm
    h = _layernorm(h, ln_gamma, ln_beta)
    # skip connection
    h = h + initial_features
    return h

if __name__ == "__main__":
    import jax
    _d = setup_inputs()
    print(jax.jit(kernel)(*tuple(_d.values())))

</pallas_src>

<mosaic_0001>
#map = affine_map<(d0, d1) -> (0, 0)>
#map1 = affine_map<(d0, d1) -> (0, 0, 0)>
module attributes {stable_mosaic.version = 14 : i64} {
  func.func @k(%arg0: i32, %arg1: i32, %arg2: memref<10000x128xf32, #tpu.memory_space<hbm>>, %arg3: memref<2x320000xi32, #tpu.memory_space<hbm>>, %arg4: memref<2x10240x128xf32, #tpu.memory_space<hbm>>, %arg5: memref<3328xi32, #tpu.memory_space<vmem>>, %arg6: memref<3328xi32, #tpu.memory_space<vmem>>, %arg7: memref<2x128x128xf32, #tpu.memory_space<vmem>>, %arg8: memref<10240x128xf32, #tpu.memory_space<vmem_shared>>, %arg9: memref<!tpu.dma_semaphore, #tpu.memory_space<semaphore_mem>>, %arg10: memref<!tpu.dma_semaphore, #tpu.memory_space<semaphore_mem>>, %arg11: memref<!tpu.dma_semaphore, #tpu.memory_space<semaphore_mem>>, %arg12: memref<!tpu.dma_semaphore, #tpu.memory_space<semaphore_mem>>) attributes {dimension_semantics = [#tpu.dimension_semantics<core_parallel>, #tpu.dimension_semantics<subcore_parallel>], iteration_bounds = array<i64: 2, 16>, scalar_prefetch = 0 : i64, scratch_operands = 8 : i64, tpu.core_type = #tpu.core_type<sc_vector_subcore>, window_params = [{transform_indices = #map}, {transform_indices = #map}, {transform_indices = #map1}]} {
    %mul3A = arith.constant 16 : i32
    %mul3A_0 = arith.muli %arg0, %mul3A : i32
    %add3A = arith.addi %mul3A_0, %arg1 : i32
    %mul3A_1 = arith.constant 78 : i32
    %mul3A_2 = arith.muli %add3A, %mul3A_1 : i32
    %min3A = arith.constant 4 : i32
    %min3A_3 = arith.minsi %add3A, %min3A : i32
    %add3A_4 = arith.addi %mul3A_2, %min3A_3 : i32
    %mul3A_5 = arith.constant 128 : i32
    %mul3A_6 = arith.muli %add3A_4, %mul3A_5 : i32
    %scan3A = arith.constant 0 : i32
    %scan3A_7 = arith.constant 128 : i32
    %scan3A_8 = arith.addi %scan3A, %scan3A_7 : i32
    %scan3A_9 = arith.constant 1 : i32
    scf.for %scan3A_28 = %scan3A to %scan3A_8 step %scan3A_9  : i32 {
      %mul3A_29 = arith.constant 1 : i32
      %mul3A_30 = arith.muli %scan3A_28, %mul3A_29 : i32
      %add3A_31 = arith.constant 0 : i32
      %add3A_32 = arith.addi %add3A_31, %mul3A_30 : i32
      %scan3A_33 = arith.constant 0 : i32
      %scan3A_34 = arith.constant 8 : i32
      %scan3A_35 = arith.addi %scan3A_33, %scan3A_34 : i32
      %scan3A_36 = arith.constant 1 : i32
      scf.for %scan3A_38 = %scan3A_33 to %scan3A_35 step %scan3A_36  : i32 {
        %mul3A_39 = arith.constant 16 : i32
        %mul3A_40 = arith.muli %scan3A_38, %mul3A_39 : i32
        %add3A_41 = arith.constant 0 : i32
        %add3A_42 = arith.addi %add3A_41, %mul3A_40 : i32
        %broadcast_in_dim3A = arith.constant 0.000000e+00 : f32
        %broadcast_in_dim3A_43 = vector.broadcast %broadcast_in_dim3A : f32 to vector<16xf32>
        %swap3A = arith.constant 0 : i32
        %swap3A_44 = arith.index_cast %swap3A : i32 to index
        %swap3A_45 = arith.index_cast %add3A_32 : i32 to index
        %swap3A_46 = arith.index_cast %add3A_42 : i32 to index
        %swap3A_47 = tpu.vector_load %arg7[%swap3A_44, %swap3A_45, %swap3A_46] {strides = array<i32>} : memref<2x128x128xf32, #tpu.memory_space<vmem>>, vector<1x1x16xf32>,
        %swap3A_48 = vector.shape_cast %swap3A_47 : vector<1x1x16xf32> to vector<16xf32>
        %swap3A_49 = vector.shape_cast %broadcast_in_dim3A_43 : vector<16xf32> to vector<1x1x16xf32>
        tpu.vector_store %arg7[%swap3A_44, %swap3A_45, %swap3A_46], %swap3A_49 {strides = array<i32>} : memref<2x128x128xf32, #tpu.memory_space<vmem>>, vector<1x1x16xf32>,
      }
      %scan3A_37 = arith.constant 8 : i32
    }
    %scan3A_10 = arith.constant 128 : i32
    %scan3A_11 = arith.constant 0 : i32
    %scan3A_12 = arith.constant 5 : i32
    %scan3A_13 = arith.addi %scan3A_11, %scan3A_12 : i32
    %scan3A_14 = arith.constant 1 : i32
    scf.for %scan3A_28 = %scan3A_11 to %scan3A_13 step %scan3A_14  : i32 {
      %mul3A_29 = arith.constant 1 : i32
      %mul3A_30 = arith.muli %scan3A_28, %mul3A_29 : i32
      %add3A_31 = arith.constant 0 : i32
      %add3A_32 = arith.addi %add3A_31, %mul3A_30 : i32
      %mul3A_33 = arith.constant 640 : i32
      %mul3A_34 = arith.muli %arg1, %mul3A_33 : i32
      %mul3A_35 = arith.constant 128 : i32
      %mul3A_36 = arith.muli %add3A_32, %mul3A_35 : i32
      %add3A_37 = arith.addi %mul3A_34, %mul3A_36 : i32
      %run_scoped3A = arith.constant 0 : i32
      "tpu.region"() ({
        %run_scoped3A_38 = tpu.sem_alloc : memref<!tpu.dma_semaphore, #tpu.memory_space<semaphore_mem>>
        %dma_start3A = arith.constant 0 : i32
        %dma_start3A_39 = arith.constant 0 : i32
        %dma_start3A_40 = tpu.memref_slice %arg7[%run_scoped3A, %dma_start3A, %dma_start3A_39] : memref<2x128x128xf32, #tpu.memory_space<vmem>> -> memref<1x128x128xf32, #tpu.memory_space<vmem>>
        %dma_start3A_41 = tpu.memref_squeeze %dma_start3A_40 : memref<1x128x128xf32, #tpu.memory_space<vmem>> -> memref<128x128xf32, #tpu.memory_space<vmem>>
        %dma_start3A_42 = arith.constant 0 : i32
        %dma_start3A_43 = tpu.memref_slice %arg8[%add3A_37, %dma_start3A_42] : memref<10240x128xf32, #tpu.memory_space<vmem_shared>> -> memref<128x128xf32, #tpu.memory_space<vmem_shared>>
        %dma_start3A_44 = arith.constant 0 : i32
        %dma_start3A_45 = tpu.memref_slice %arg8[%add3A_37, %dma_start3A_44] : memref<10240x128xf32, #tpu.memory_space<vmem_shared>> -> memref<128x128xf32, #tpu.memory_space<vmem_shared>>
        %dma_start3A_46 = arith.constant 0 : i32
        %dma_start3A_47 = arith.constant 0 : i32
        %dma_start3A_48 = tpu.memref_slice %arg7[%run_scoped3A, %dma_start3A_46, %dma_start3A_47] : memref<2x128x128xf32, #tpu.memory_space<vmem>> -> memref<1x128x128xf32, #tpu.memory_space<vmem>>
        %dma_start3A_49 = tpu.memref_squeeze %dma_start3A_48 : memref<1x128x128xf32, #tpu.memory_space<vmem>> -> memref<128x128xf32, #tpu.memory_space<vmem>>
        tpu.enqueue_dma source(%dma_start3A_49 : memref<128x128xf32, #tpu.memory_space<vmem>>) target(%dma_start3A_45 : memref<128x128xf32, #tpu.memory_space<vmem_shared>>) target_semaphore(%run_scoped3A_38 : memref<!tpu.dma_semaphore, #tpu.memory_space<semaphore_mem>>)
        %dma_wait3A = arith.constant 0 : i32
        %dma_wait3A_50 = arith.constant 0 : i32
        %dma_wait3A_51 = tpu.memref_slice %arg7[%run_scoped3A, %dma_wait3A, %dma_wait3A_50] : memref<2x128x128xf32, #tpu.memory_space<vmem>> -> memref<1x128x128xf32, #tpu.memory_space<vmem>>
        %dma_wait3A_52 = tpu.memref_squeeze %dma_wait3A_51 : memref<1x128x128xf32, #tpu.memory_space<vmem>> -> memref<128x128xf32, #tpu.memory_space<vmem>>
        %dma_wait3A_53 = arith.constant 0 : i32
        %dma_wait3A_54 = tpu.memref_slice %arg8[%add3A_37, %dma_wait3A_53] : memref<10240x128xf32, #tpu.memory_space<vmem_shared>> -> memref<128x128xf32, #tpu.memory_space<vmem_shared>>
        %dma_wait3A_55 = arith.constant 0 : i32
        %dma_wait3A_56 = tpu.memref_slice %arg8[%add3A_37, %dma_wait3A_55] : memref<10240x128xf32, #tpu.memory_space<vmem_shared>> -> memref<128x128xf32, #tpu.memory_space<vmem_shared>>
        %dma_wait3A_57 = arith.constant 0 : i32
        %dma_wait3A_58 = arith.constant 0 : i32
        %dma_wait3A_59 = tpu.memref_slice %arg7[%run_scoped3A, %dma_wait3A_57, %dma_wait3A_58] : memref<2x128x128xf32, #tpu.memory_space<vmem>> -> memref<1x128x128xf32, #tpu.memory_space<vmem>>
        %dma_wait3A_60 = tpu.memref_squeeze %dma_wait3A_59 : memref<1x128x128xf32, #tpu.memory_space<vmem>> -> memref<128x128xf32, #tpu.memory_space<vmem>>
        tpu.wait_dma2 semaphore(%run_scoped3A_38 : memref<!tpu.dma_semaphore, #tpu.memory_space<semaphore_mem>>) src(%dma_wait3A_60 : memref<128x128xf32, #tpu.memory_space<vmem>>) dst(%dma_wait3A_56 : memref<128x128xf32, #tpu.memory_space<vmem_shared>>)
        tpu.yield
      }) : () -> ()
    }
    %scan3A_15 = arith.constant 5 : i32
    %barrier3A = arith.constant 0 : index
    tpu.barrier barrier_id(%barrier3A)
    %scan3A_16 = arith.constant 0 : i32
    %scan3A_17 = arith.constant 3 : i32
    %scan3A_18 = arith.addi %scan3A_16, %scan3A_17 : i32
    %scan3A_19 = arith.constant 1 : i32
    scf.for %scan3A_28 = %scan3A_16 to %scan3A_18 step %scan3A_19  : i32 {
      %mul3A_29 = arith.constant 1 : i32
      %mul3A_30 = arith.muli %scan3A_28, %mul3A_29 : i32
      %add3A_31 = arith.constant 0 : i32
      %add3A_32 = arith.addi %add3A_31, %mul3A_30 : i32
      %mul3A_33 = arith.constant 3328 : i32
      %mul3A_34 = arith.muli %add3A_32, %mul3A_33 : i32
      %add3A_35 = arith.addi %mul3A_6, %mul3A_34 : i32
      %run_scoped3A = arith.constant 0 : i32
      "tpu.region"() ({
        %run_scoped3A_42 = tpu.sem_alloc : memref<!tpu.dma_semaphore, #tpu.memory_space<semaphore_mem>>
        %dma_start3A = arith.constant 0 : i32
        %dma_start3A_43 = tpu.memref_slice %arg3[%run_scoped3A, %dma_start3A] : memref<2x320000xi32, #tpu.memory_space<hbm>> -> memref<1x320000xi32, #tpu.memory_space<hbm>>
        %dma_start3A_44 = tpu.memref_squeeze %dma_start3A_43 : memref<1x320000xi32, #tpu.memory_space<hbm>> -> memref<320000xi32, #tpu.memory_space<hbm>>
        %dma_start3A_45 = tpu.memref_slice %dma_start3A_44[%add3A_35] : memref<320000xi32, #tpu.memory_space<hbm>> -> memref<3328xi32, #tpu.memory_space<hbm>>
        %dma_start3A_46 = arith.constant 0 : i32
        %dma_start3A_47 = tpu.memref_slice %arg3[%run_scoped3A, %dma_start3A_46] : memref<2x320000xi32, #tpu.memory_space<hbm>> -> memref<1x320000xi32, #tpu.memory_space<hbm>>
        %dma_start3A_48 = tpu.memref_squeeze %dma_start3A_47 : memref<1x320000xi32, #tpu.memory_space<hbm>> -> memref<320000xi32, #tpu.memory_space<hbm>>
        %dma_start3A_49 = tpu.memref_slice %dma_start3A_48[%add3A_35] : memref<320000xi32, #tpu.memory_space<hbm>> -> memref<3328xi32, #tpu.memory_space<hbm>>
        tpu.enqueue_dma source(%dma_start3A_49 : memref<3328xi32, #tpu.memory_space<hbm>>) target(%arg5 : memref<3328xi32, #tpu.memory_space<vmem>>) target_semaphore(%run_scoped3A_42 : memref<!tpu.dma_semaphore, #tpu.memory_space<semaphore_mem>>)
        %dma_wait3A = arith.constant 0 : i32
        %dma_wait3A_50 = tpu.memref_slice %arg3[%run_scoped3A, %dma_wait3A] : memref<2x320000xi32, #tpu.memory_space<hbm>> -> memref<1x320000xi32, #tpu.memory_space<hbm>>
        %dma_wait3A_51 = tpu.memref_squeeze %dma_wait3A_50 : memref<1x320000xi32, #tpu.memory_space<hbm>> -> memref<320000xi32, #tpu.memory_space<hbm>>
        %dma_wait3A_52 = tpu.memref_slice %dma_wait3A_51[%add3A_35] : memref<320000xi32, #tpu.memory_space<hbm>> -> memref<3328xi32, #tpu.memory_space<hbm>>
        %dma_wait3A_53 = arith.constant 0 : i32
        %dma_wait3A_54 = tpu.memref_slice %arg3[%run_scoped3A, %dma_wait3A_53] : memref<2x320000xi32, #tpu.memory_space<hbm>> -> memref<1x320000xi32, #tpu.memory_space<hbm>>
        %dma_wait3A_55 = tpu.memref_squeeze %dma_wait3A_54 : memref<1x320000xi32, #tpu.memory_space<hbm>> -> memref<320000xi32, #tpu.memory_space<hbm>>
        %dma_wait3A_56 = tpu.memref_slice %dma_wait3A_55[%add3A_35] : memref<320000xi32, #tpu.memory_space<hbm>> -> memref<3328xi32, #tpu.memory_space<hbm>>
        tpu.wait_dma2 semaphore(%run_scoped3A_42 : memref<!tpu.dma_semaphore, #tpu.memory_space<semaphore_mem>>) src(%dma_wait3A_56 : memref<3328xi32, #tpu.memory_space<hbm>>) dst(%arg5 : memref<3328xi32, #tpu.memory_space<vmem>>)
        tpu.yield
      }) : () -> ()
      %run_scoped3A_36 = arith.constant 1 : i32
      "tpu.region"() ({
        %run_scoped3A_42 = tpu.sem_alloc : memref<!tpu.dma_semaphore, #tpu.memory_space<semaphore_mem>>
        %dma_start3A = arith.constant 0 : i32
        %dma_start3A_43 = tpu.memref_slice %arg3[%run_scoped3A_36, %dma_start3A] : memref<2x320000xi32, #tpu.memory_space<hbm>> -> memref<1x320000xi32, #tpu.memory_space<hbm>>
        %dma_start3A_44 = tpu.memref_squeeze %dma_start3A_43 : memref<1x320000xi32, #tpu.memory_space<hbm>> -> memref<320000xi32, #tpu.memory_space<hbm>>
        %dma_start3A_45 = tpu.memref_slice %dma_start3A_44[%add3A_35] : memref<320000xi32, #tpu.memory_space<hbm>> -> memref<3328xi32, #tpu.memory_space<hbm>>
        %dma_start3A_46 = arith.constant 0 : i32
        %dma_start3A_47 = tpu.memref_slice %arg3[%run_scoped3A_36, %dma_start3A_46] : memref<2x320000xi32, #tpu.memory_space<hbm>> -> memref<1x320000xi32, #tpu.memory_space<hbm>>
        %dma_start3A_48 = tpu.memref_squeeze %dma_start3A_47 : memref<1x320000xi32, #tpu.memory_space<hbm>> -> memref<320000xi32, #tpu.memory_space<hbm>>
        %dma_start3A_49 = tpu.memref_slice %dma_start3A_48[%add3A_35] : memref<320000xi32, #tpu.memory_space<hbm>> -> memref<3328xi32, #tpu.memory_space<hbm>>
        tpu.enqueue_dma source(%dma_start3A_49 : memref<3328xi32, #tpu.memory_space<hbm>>) target(%arg6 : memref<3328xi32, #tpu.memory_space<vmem>>) target_semaphore(%run_scoped3A_42 : memref<!tpu.dma_semaphore, #tpu.memory_space<semaphore_mem>>)
        %dma_wait3A = arith.constant 0 : i32
        %dma_wait3A_50 = tpu.memref_slice %arg3[%run_scoped3A_36, %dma_wait3A] : memref<2x320000xi32, #tpu.memory_space<hbm>> -> memref<1x320000xi32, #tpu.memory_space<hbm>>
        %dma_wait3A_51 = tpu.memref_squeeze %dma_wait3A_50 : memref<1x320000xi32, #tpu.memory_space<hbm>> -> memref<320000xi32, #tpu.memory_space<hbm>>
        %dma_wait3A_52 = tpu.memref_slice %dma_wait3A_51[%add3A_35] : memref<320000xi32, #tpu.memory_space<hbm>> -> memref<3328xi32, #tpu.memory_space<hbm>>
        %dma_wait3A_53 = arith.constant 0 : i32
        %dma_wait3A_54 = tpu.memref_slice %arg3[%run_scoped3A_36, %dma_wait3A_53] : memref<2x320000xi32, #tpu.memory_space<hbm>> -> memref<1x320000xi32, #tpu.memory_space<hbm>>
        %dma_wait3A_55 = tpu.memref_squeeze %dma_wait3A_54 : memref<1x320000xi32, #tpu.memory_space<hbm>> -> memref<320000xi32, #tpu.memory_space<hbm>>
        %dma_wait3A_56 = tpu.memref_slice %dma_wait3A_55[%add3A_35] : memref<320000xi32, #tpu.memory_space<hbm>> -> memref<3328xi32, #tpu.memory_space<hbm>>
        tpu.wait_dma2 semaphore(%run_scoped3A_42 : memref<!tpu.dma_semaphore, #tpu.memory_space<semaphore_mem>>) src(%dma_wait3A_56 : memref<3328xi32, #tpu.memory_space<hbm>>) dst(%arg6 : memref<3328xi32, #tpu.memory_space<vmem>>)
        tpu.yield
      }) : () -> ()
      %scan3A_37 = arith.constant 0 : i32
      %scan3A_38 = arith.constant 13 : i32
      %scan3A_39 = arith.addi %scan3A_37, %scan3A_38 : i32
      %scan3A_40 = arith.constant 1 : i32
      scf.for %scan3A_42 = %scan3A_37 to %scan3A_39 step %scan3A_40  : i32 {
        %mul3A_43 = arith.constant 2 : i32
        %mul3A_44 = arith.muli %scan3A_42, %mul3A_43 : i32
        %add3A_45 = arith.constant 0 : i32
        %add3A_46 = arith.addi %add3A_45, %mul3A_44 : i32
        %mul3A_47 = arith.constant 128 : i32
        %mul3A_48 = arith.muli %add3A_46, %mul3A_47 : i32
        %dma_start3A = arith.constant 0 : i32
        %dma_start3A_49 = arith.constant 0 : i32
        %dma_start3A_50 = arith.constant 0 : i32
        %dma_start3A_51 = tpu.memref_slice %arg7[%dma_start3A, %dma_start3A_49, %dma_start3A_50] : memref<2x128x128xf32, #tpu.memory_space<vmem>> -> memref<1x128x128xf32, #tpu.memory_space<vmem>>
        %dma_start3A_52 = tpu.memref_squeeze %dma_start3A_51 : memref<1x128x128xf32, #tpu.memory_space<vmem>> -> memref<128x128xf32, #tpu.memory_space<vmem>>
        %dma_start3A_53 = tpu.memref_slice %arg5[%mul3A_48] : memref<3328xi32, #tpu.memory_space<vmem>> -> memref<128xi32, #tpu.memory_space<vmem>>
        %dma_start3A_54 = arith.constant 0 : i32
        %dma_start3A_55 = arith.constant 0 : i32
        %dma_start3A_56 = tpu.memref_slice %arg2[%dma_start3A_54, %dma_start3A_55] : memref<10000x128xf32, #tpu.memory_space<hbm>> -> memref<10000x128xf32, #tpu.memory_space<hbm>>
        tpu.enqueue_indirect_dma source(%dma_start3A_56 : memref<10000x128xf32, #tpu.memory_space<hbm>>) target(%dma_start3A_52 : memref<128x128xf32, #tpu.memory_space<vmem>>) offsets(%dma_start3A_53 : memref<128xi32, #tpu.memory_space<vmem>>) semaphore(%arg9 : memref<!tpu.dma_semaphore, #tpu.memory_space<semaphore_mem>>)
        %add3A_57 = arith.constant 1 : i32
        %add3A_58 = arith.addi %add3A_46, %add3A_57 : i32
        %mul3A_59 = arith.constant 128 : i32
        %mul3A_60 = arith.muli %add3A_58, %mul3A_59 : i32
        %dma_start3A_61 = arith.constant 1 : i32
        %dma_start3A_62 = arith.constant 0 : i32
        %dma_start3A_63 = arith.constant 0 : i32
        %dma_start3A_64 = tpu.memref_slice %arg7[%dma_start3A_61, %dma_start3A_62, %dma_start3A_63] : memref<2x128x128xf32, #tpu.memory_space<vmem>> -> memref<1x128x128xf32, #tpu.memory_space<vmem>>
        %dma_start3A_65 = tpu.memref_squeeze %dma_start3A_64 : memref<1x128x128xf32, #tpu.memory_space<vmem>> -> memref<128x128xf32, #tpu.memory_space<vmem>>
        %dma_start3A_66 = tpu.memref_slice %arg5[%mul3A_60] : memref<3328xi32, #tpu.memory_space<vmem>> -> memref<128xi32, #tpu.memory_space<vmem>>
        %dma_start3A_67 = arith.constant 0 : i32
        %dma_start3A_68 = arith.constant 0 : i32
        %dma_start3A_69 = tpu.memref_slice %arg2[%dma_start3A_67, %dma_start3A_68] : memref<10000x128xf32, #tpu.memory_space<hbm>> -> memref<10000x128xf32, #tpu.memory_space<hbm>>
        tpu.enqueue_indirect_dma source(%dma_start3A_69 : memref<10000x128xf32, #tpu.memory_space<hbm>>) target(%dma_start3A_65 : memref<128x128xf32, #tpu.memory_space<vmem>>) offsets(%dma_start3A_66 : memref<128xi32, #tpu.memory_space<vmem>>) semaphore(%arg10 : memref<!tpu.dma_semaphore, #tpu.memory_space<semaphore_mem>>)
        %dma_wait3A = arith.constant 0 : i32
        %dma_wait3A_70 = arith.constant 0 : i32
        %dma_wait3A_71 = arith.constant 0 : i32
        %dma_wait3A_72 = tpu.memref_slice %arg7[%dma_wait3A, %dma_wait3A_70, %dma_wait3A_71] : memref<2x128x128xf32, #tpu.memory_space<vmem>> -> memref<1x128x128xf32, #tpu.memory_space<vmem>>
        %dma_wait3A_73 = tpu.memref_squeeze %dma_wait3A_72 : memref<1x128x128xf32, #tpu.memory_space<vmem>> -> memref<128x128xf32, #tpu.memory_space<vmem>>
        %dma_wait3A_74 = tpu.memref_slice %arg5[%mul3A_48] : memref<3328xi32, #tpu.memory_space<vmem>> -> memref<128xi32, #tpu.memory_space<vmem>>
        %dma_wait3A_75 = arith.constant 0 : i32
        %dma_wait3A_76 = arith.constant 0 : i32
        %dma_wait3A_77 = tpu.memref_slice %arg2[%dma_wait3A_75, %dma_wait3A_76] : memref<10000x128xf32, #tpu.memory_space<hbm>> -> memref<10000x128xf32, #tpu.memory_space<hbm>>
        tpu.wait_indirect_dma semaphore(%arg9 : memref<!tpu.dma_semaphore, #tpu.memory_space<semaphore_mem>>) src(%dma_wait3A_77 : memref<10000x128xf32, #tpu.memory_space<hbm>>) dst(%dma_wait3A_73 : memref<128x128xf32, #tpu.memory_space<vmem>>)
        %mul3A_78 = arith.constant 128 : i32
        %mul3A_79 = arith.muli %add3A_46, %mul3A_78 : i32
        %dma_start3A_80 = arith.constant 0 : i32
        %dma_start3A_81 = arith.constant 0 : i32
        %dma_start3A_82 = arith.constant 0 : i32
        %dma_start3A_83 = tpu.memref_slice %arg7[%dma_start3A_80, %dma_start3A_81, %dma_start3A_82] : memref<2x128x128xf32, #tpu.memory_space<vmem>> -> memref<1x128x128xf32, #tpu.memory_space<vmem>>
        %dma_start3A_84 = tpu.memref_squeeze %dma_start3A_83 : memref<1x128x128xf32, #tpu.memory_space<vmem>> -> memref<128x128xf32, #tpu.memory_space<vmem>>
        %dma_start3A_85 = tpu.memref_slice %arg6[%mul3A_79] : memref<3328xi32, #tpu.memory_space<vmem>> -> memref<128xi32, #tpu.memory_space<vmem>>
        %dma_start3A_86 = arith.constant 0 : i32
        %dma_start3A_87 = arith.constant 0 : i32
        %dma_start3A_88 = tpu.memref_slice %arg8[%dma_start3A_86, %dma_start3A_87] : memref<10240x128xf32, #tpu.memory_space<vmem_shared>> -> memref<10240x128xf32, #tpu.memory_space<vmem_shared>>
        tpu.enqueue_indirect_dma source(%dma_start3A_84 : memref<128x128xf32, #tpu.memory_space<vmem>>) target(%dma_start3A_88 : memref<10240x128xf32, #tpu.memory_space<vmem_shared>>) offsets(%dma_start3A_85 : memref<128xi32, #tpu.memory_space<vmem>>) semaphore(%arg11 : memref<!tpu.dma_semaphore, #tpu.memory_space<semaphore_mem>>) {add = true}
        %dma_wait3A_89 = arith.constant 1 : i32
        %dma_wait3A_90 = arith.constant 0 : i32
        %dma_wait3A_91 = arith.constant 0 : i32
        %dma_wait3A_92 = tpu.memref_slice %arg7[%dma_wait3A_89, %dma_wait3A_90, %dma_wait3A_91] : memref<2x128x128xf32, #tpu.memory_space<vmem>> -> memref<1x128x128xf32, #tpu.memory_space<vmem>>
        %dma_wait3A_93 = tpu.memref_squeeze %dma_wait3A_92 : memref<1x128x128xf32, #tpu.memory_space<vmem>> -> memref<128x128xf32, #tpu.memory_space<vmem>>
        %dma_wait3A_94 = tpu.memref_slice %arg5[%mul3A_60] : memref<3328xi32, #tpu.memory_space<vmem>> -> memref<128xi32, #tpu.memory_space<vmem>>
        %dma_wait3A_95 = arith.constant 0 : i32
        %dma_wait3A_96 = arith.constant 0 : i32
        %dma_wait3A_97 = tpu.memref_slice %arg2[%dma_wait3A_95, %dma_wait3A_96] : memref<10000x128xf32, #tpu.memory_space<hbm>> -> memref<10000x128xf32, #tpu.memory_space<hbm>>
        tpu.wait_indirect_dma semaphore(%arg10 : memref<!tpu.dma_semaphore, #tpu.memory_space<semaphore_mem>>) src(%dma_wait3A_97 : memref<10000x128xf32, #tpu.memory_space<hbm>>) dst(%dma_wait3A_93 : memref<128x128xf32, #tpu.memory_space<vmem>>)
        %add3A_98 = arith.constant 1 : i32
        %add3A_99 = arith.addi %add3A_46, %add3A_98 : i32
        %mul3A_100 = arith.constant 128 : i32
        %mul3A_101 = arith.muli %add3A_99, %mul3A_100 : i32
        %dma_start3A_102 = arith.constant 1 : i32
        %dma_start3A_103 = arith.constant 0 : i32
        %dma_start3A_104 = arith.constant 0 : i32
        %dma_start3A_105 = tpu.memref_slice %arg7[%dma_start3A_102, %dma_start3A_103, %dma_start3A_104] : memref<2x128x128xf32, #tpu.memory_space<vmem>> -> memref<1x128x128xf32, #tpu.memory_space<vmem>>
        %dma_start3A_106 = tpu.memref_squeeze %dma_start3A_105 : memref<1x128x128xf32, #tpu.memory_space<vmem>> -> memref<128x128xf32, #tpu.memory_space<vmem>>
        %dma_start3A_107 = tpu.memref_slice %arg6[%mul3A_101] : memref<3328xi32, #tpu.memory_space<vmem>> -> memref<128xi32, #tpu.memory_space<vmem>>
        %dma_start3A_108 = arith.constant 0 : i32
        %dma_start3A_109 = arith.constant 0 : i32
        %dma_start3A_110 = tpu.memref_slice %arg8[%dma_start3A_108, %dma_start3A_109] : memref<10240x128xf32, #tpu.memory_space<vmem_shared>> -> memref<10240x128xf32, #tpu.memory_space<vmem_shared>>
        tpu.enqueue_indirect_dma source(%dma_start3A_106 : memref<128x128xf32, #tpu.memory_space<vmem>>) target(%dma_start3A_110 : memref<10240x128xf32, #tpu.memory_space<vmem_shared>>) offsets(%dma_start3A_107 : memref<128xi32, #tpu.memory_space<vmem>>) semaphore(%arg12 : memref<!tpu.dma_semaphore, #tpu.memory_space<semaphore_mem>>) {add = true}
        %dma_wait3A_111 = arith.constant 0 : i32
        %dma_wait3A_112 = arith.constant 0 : i32
        %dma_wait3A_113 = arith.constant 0 : i32
        %dma_wait3A_114 = tpu.memref_slice %arg7[%dma_wait3A_111, %dma_wait3A_112, %dma_wait3A_113] : memref<2x128x128xf32, #tpu.memory_space<vmem>> -> memref<1x128x128xf32, #tpu.memory_space<vmem>>
        %dma_wait3A_115 = tpu.memref_squeeze %dma_wait3A_114 : memref<1x128x128xf32, #tpu.memory_space<vmem>> -> memref<128x128xf32, #tpu.memory_space<vmem>>
        %dma_wait3A_116 = tpu.memref_slice %arg6[%mul3A_79] : memref<3328xi32, #tpu.memory_space<vmem>> -> memref<128xi32, #tpu.memory_space<vmem>>
        %dma_wait3A_117 = arith.constant 0 : i32
        %dma_wait3A_118 = arith.constant 0 : i32
        %dma_wait3A_119 = tpu.memref_slice %arg8[%dma_wait3A_117, %dma_wait3A_118] : memref<10240x128xf32, #tpu.memory_space<vmem_shared>> -> memref<10240x128xf32, #tpu.memory_space<vmem_shared>>
        tpu.wait_indirect_dma semaphore(%arg11 : memref<!tpu.dma_semaphore, #tpu.memory_space<semaphore_mem>>) src(%dma_wait3A_115 : memref<128x128xf32, #tpu.memory_space<vmem>>) dst(%dma_wait3A_119 : memref<10240x128xf32, #tpu.memory_space<vmem_shared>>)
        %dma_wait3A_120 = arith.constant 1 : i32
        %dma_wait3A_121 = arith.constant 0 : i32
        %dma_wait3A_122 = arith.constant 0 : i32
        %dma_wait3A_123 = tpu.memref_slice %arg7[%dma_wait3A_120, %dma_wait3A_121, %dma_wait3A_122] : memref<2x128x128xf32, #tpu.memory_space<vmem>> -> memref<1x128x128xf32, #tpu.memory_space<vmem>>
        %dma_wait3A_124 = tpu.memref_squeeze %dma_wait3A_123 : memref<1x128x128xf32, #tpu.memory_space<vmem>> -> memref<128x128xf32, #tpu.memory_space<vmem>>
        %dma_wait3A_125 = tpu.memref_slice %arg6[%mul3A_101] : memref<3328xi32, #tpu.memory_space<vmem>> -> memref<128xi32, #tpu.memory_space<vmem>>
        %dma_wait3A_126 = arith.constant 0 : i32
        %dma_wait3A_127 = arith.constant 0 : i32
        %dma_wait3A_128 = tpu.memref_slice %arg8[%dma_wait3A_126, %dma_wait3A_127] : memref<10240x128xf32, #tpu.memory_space<vmem_shared>> -> memref<10240x128xf32, #tpu.memory_space<vmem_shared>>
        tpu.wait_indirect_dma semaphore(%arg12 : memref<!tpu.dma_semaphore, #tpu.memory_space<semaphore_mem>>) src(%dma_wait3A_124 : memref<128x128xf32, #tpu.memory_space<vmem>>) dst(%dma_wait3A_128 : memref<10240x128xf32, #tpu.memory_space<vmem_shared>>)
      }
      %scan3A_41 = arith.constant 13 : i32
    }
    %scan3A_20 = arith.constant 3 : i32
    %lt3A = arith.constant 4 : i32
    %lt3A_21 = arith.cmpi slt, %add3A, %lt3A : i32
    %convert_element_type3A = arith.extui %lt3A_21 : i1 to i32
    %cond3A = arith.constant 0 : i32
    %cond3A_22 = arith.cmpi ne, %convert_element_type3A, %cond3A : i32
    scf.if %cond3A_22 {
      %add3A_28 = arith.constant 9984 : i32
      %add3A_29 = arith.addi %mul3A_6, %add3A_28 : i32
      %run_scoped3A = arith.constant 0 : i32
      "tpu.region"() ({
        %run_scoped3A_69 = tpu.sem_alloc : memref<!tpu.dma_semaphore, #tpu.memory_space<semaphore_mem>>
        %dma_start3A_70 = arith.constant 0 : i32
        %dma_start3A_71 = tpu.memref_slice %arg5[%dma_start3A_70] : memref<3328xi32, #tpu.memory_space<vmem>> -> memref<128xi32, #tpu.memory_space<vmem>>
        %dma_start3A_72 = arith.constant 0 : i32
        %dma_start3A_73 = tpu.memref_slice %arg3[%run_scoped3A, %dma_start3A_72] : memref<2x320000xi32, #tpu.memory_space<hbm>> -> memref<1x320000xi32, #tpu.memory_space<hbm>>
        %dma_start3A_74 = tpu.memref_squeeze %dma_start3A_73 : memref<1x320000xi32, #tpu.memory_space<hbm>> -> memref<320000xi32, #tpu.memory_space<hbm>>
        %dma_start3A_75 = tpu.memref_slice %dma_start3A_74[%add3A_29] : memref<320000xi32, #tpu.memory_space<hbm>> -> memref<128xi32, #tpu.memory_space<hbm>>
        %dma_start3A_76 = arith.constant 0 : i32
        %dma_start3A_77 = tpu.memref_slice %arg5[%dma_start3A_76] : memref<3328xi32, #tpu.memory_space<vmem>> -> memref<128xi32, #tpu.memory_space<vmem>>
        %dma_start3A_78 = arith.constant 0 : i32
        %dma_start3A_79 = tpu.memref_slice %arg3[%run_scoped3A, %dma_start3A_78] : memref<2x320000xi32, #tpu.memory_space<hbm>> -> memref<1x320000xi32, #tpu.memory_space<hbm>>
        %dma_start3A_80 = tpu.memref_squeeze %dma_start3A_79 : memref<1x320000xi32, #tpu.memory_space<hbm>> -> memref<320000xi32, #tpu.memory_space<hbm>>
        %dma_start3A_81 = tpu.memref_slice %dma_start3A_80[%add3A_29] : memref<320000xi32, #tpu.memory_space<hbm>> -> memref<128xi32, #tpu.memory_space<hbm>>
        tpu.enqueue_dma source(%dma_start3A_81 : memref<128xi32, #tpu.memory_space<hbm>>) target(%dma_start3A_77 : memref<128xi32, #tpu.memory_space<vmem>>) target_semaphore(%run_scoped3A_69 : memref<!tpu.dma_semaphore, #tpu.memory_space<semaphore_mem>>)
        %dma_wait3A_82 = arith.constant 0 : i32
        %dma_wait3A_83 = tpu.memref_slice %arg5[%dma_wait3A_82] : memref<3328xi32, #tpu.memory_space<vmem>> -> memref<128xi32, #tpu.memory_space<vmem>>
        %dma_wait3A_84 = arith.constant 0 : i32
        %dma_wait3A_85 = tpu.memref_slice %arg3[%run_scoped3A, %dma_wait3A_84] : memref<2x320000xi32, #tpu.memory_space<hbm>> -> memref<1x320000xi32, #tpu.memory_space<hbm>>
        %dma_wait3A_86 = tpu.memref_squeeze %dma_wait3A_85 : memref<1x320000xi32, #tpu.memory_space<hbm>> -> memref<320000xi32, #tpu.memory_space<hbm>>
        %dma_wait3A_87 = tpu.memref_slice %dma_wait3A_86[%add3A_29] : memref<320000xi32, #tpu.memory_space<hbm>> -> memref<128xi32, #tpu.memory_space<hbm>>
        %dma_wait3A_88 = arith.constant 0 : i32
        %dma_wait3A_89 = tpu.memref_slice %arg5[%dma_wait3A_88] : memref<3328xi32, #tpu.memory_space<vmem>> -> memref<128xi32, #tpu.memory_space<vmem>>
        %dma_wait3A_90 = arith.constant 0 : i32
        %dma_wait3A_91 = tpu.memref_slice %arg3[%run_scoped3A, %dma_wait3A_90] : memref<2x320000xi32, #tpu.memory_space<hbm>> -> memref<1x320000xi32, #tpu.memory_space<hbm>>
        %dma_wait3A_92 = tpu.memref_squeeze %dma_wait3A_91 : memref<1x320000xi32, #tpu.memory_space<hbm>> -> memref<320000xi32, #tpu.memory_space<hbm>>
        %dma_wait3A_93 = tpu.memref_slice %dma_wait3A_92[%add3A_29] : memref<320000xi32, #tpu.memory_space<hbm>> -> memref<128xi32, #tpu.memory_space<hbm>>
        tpu.wait_dma2 semaphore(%run_scoped3A_69 : memref<!tpu.dma_semaphore, #tpu.memory_space<semaphore_mem>>) src(%dma_wait3A_93 : memref<128xi32, #tpu.memory_space<hbm>>) dst(%dma_wait3A_89 : memref<128xi32, #tpu.memory_space<vmem>>)
        tpu.yield
      }) : () -> ()
      %run_scoped3A_30 = arith.constant 1 : i32
      "tpu.region"() ({
        %run_scoped3A_69 = tpu.sem_alloc : memref<!tpu.dma_semaphore, #tpu.memory_space<semaphore_mem>>
        %dma_start3A_70 = arith.constant 0 : i32
        %dma_start3A_71 = tpu.memref_slice %arg6[%dma_start3A_70] : memref<3328xi32, #tpu.memory_space<vmem>> -> memref<128xi32, #tpu.memory_space<vmem>>
        %dma_start3A_72 = arith.constant 0 : i32
        %dma_start3A_73 = tpu.memref_slice %arg3[%run_scoped3A_30, %dma_start3A_72] : memref<2x320000xi32, #tpu.memory_space<hbm>> -> memref<1x320000xi32, #tpu.memory_space<hbm>>
        %dma_start3A_74 = tpu.memref_squeeze %dma_start3A_73 : memref<1x320000xi32, #tpu.memory_space<hbm>> -> memref<320000xi32, #tpu.memory_space<hbm>>
        %dma_start3A_75 = tpu.memref_slice %dma_start3A_74[%add3A_29] : memref<320000xi32, #tpu.memory_space<hbm>> -> memref<128xi32, #tpu.memory_space<hbm>>
        %dma_start3A_76 = arith.constant 0 : i32
        %dma_start3A_77 = tpu.memref_slice %arg6[%dma_start3A_76] : memref<3328xi32, #tpu.memory_space<vmem>> -> memref<128xi32, #tpu.memory_space<vmem>>
        %dma_start3A_78 = arith.constant 0 : i32
        %dma_start3A_79 = tpu.memref_slice %arg3[%run_scoped3A_30, %dma_start3A_78] : memref<2x320000xi32, #tpu.memory_space<hbm>> -> memref<1x320000xi32, #tpu.memory_space<hbm>>
        %dma_start3A_80 = tpu.memref_squeeze %dma_start3A_79 : memref<1x320000xi32, #tpu.memory_space<hbm>> -> memref<320000xi32, #tpu.memory_space<hbm>>
        %dma_start3A_81 = tpu.memref_slice %dma_start3A_80[%add3A_29] : memref<320000xi32, #tpu.memory_space<hbm>> -> memref<128xi32, #tpu.memory_space<hbm>>
        tpu.enqueue_dma source(%dma_start3A_81 : memref<128xi32, #tpu.memory_space<hbm>>) target(%dma_start3A_77 : memref<128xi32, #tpu.memory_space<vmem>>) target_semaphore(%run_scoped3A_69 : memref<!tpu.dma_semaphore, #tpu.memory_space<semaphore_mem>>)
        %dma_wait3A_82 = arith.constant 0 : i32
        %dma_wait3A_83 = tpu.memref_slice %arg6[%dma_wait3A_82] : memref<3328xi32, #tpu.memory_space<vmem>> -> memref<128xi32, #tpu.memory_space<vmem>>
        %dma_wait3A_84 = arith.constant 0 : i32
        %dma_wait3A_85 = tpu.memref_slice %arg3[%run_scoped3A_30, %dma_wait3A_84] : memref<2x320000xi32, #tpu.memory_space<hbm>> -> memref<1x320000xi32, #tpu.memory_space<hbm>>
        %dma_wait3A_86 = tpu.memref_squeeze %dma_wait3A_85 : memref<1x320000xi32, #tpu.memory_space<hbm>> -> memref<320000xi32, #tpu.memory_space<hbm>>
        %dma_wait3A_87 = tpu.memref_slice %dma_wait3A_86[%add3A_29] : memref<320000xi32, #tpu.memory_space<hbm>> -> memref<128xi32, #tpu.memory_space<hbm>>
        %dma_wait3A_88 = arith.constant 0 : i32
        %dma_wait3A_89 = tpu.memref_slice %arg6[%dma_wait3A_88] : memref<3328xi32, #tpu.memory_space<vmem>> -> memref<128xi32, #tpu.memory_space<vmem>>
        %dma_wait3A_90 = arith.constant 0 : i32
        %dma_wait3A_91 = tpu.memref_slice %arg3[%run_scoped3A_30, %dma_wait3A_90] : memref<2x320000xi32, #tpu.memory_space<hbm>> -> memref<1x320000xi32, #tpu.memory_space<hbm>>
        %dma_wait3A_92 = tpu.memref_squeeze %dma_wait3A_91 : memref<1x320000xi32, #tpu.memory_space<hbm>> -> memref<320000xi32, #tpu.memory_space<hbm>>
        %dma_wait3A_93 = tpu.memref_slice %dma_wait3A_92[%add3A_29] : memref<320000xi32, #tpu.memory_space<hbm>> -> memref<128xi32, #tpu.memory_space<hbm>>
        tpu.wait_dma2 semaphore(%run_scoped3A_69 : memref<!tpu.dma_semaphore, #tpu.memory_space<semaphore_mem>>) src(%dma_wait3A_93 : memref<128xi32, #tpu.memory_space<hbm>>) dst(%dma_wait3A_89 : memref<128xi32, #tpu.memory_space<vmem>>)
        tpu.yield
      }) : () -> ()
      %dma_start3A = arith.constant 0 : i32
      %dma_start3A_31 = arith.constant 0 : i32
      %dma_start3A_32 = arith.constant 0 : i32
      %dma_start3A_33 = tpu.memref_slice %arg7[%dma_start3A, %dma_start3A_31, %dma_start3A_32] : memref<2x128x128xf32, #tpu.memory_space<vmem>> -> memref<1x128x128xf32, #tpu.memory_space<vmem>>
      %dma_start3A_34 = tpu.memref_squeeze %dma_start3A_33 : memref<1x128x128xf32, #tpu.memory_space<vmem>> -> memref<128x128xf32, #tpu.memory_space<vmem>>
      %dma_start3A_35 = arith.constant 0 : i32
      %dma_start3A_36 = tpu.memref_slice %arg5[%dma_start3A_35] : memref<3328xi32, #tpu.memory_space<vmem>> -> memref<128xi32, #tpu.memory_space<vmem>>
      %dma_start3A_37 = arith.constant 0 : i32
      %dma_start3A_38 = arith.constant 0 : i32
      %dma_start3A_39 = tpu.memref_slice %arg2[%dma_start3A_37, %dma_start3A_38] : memref<10000x128xf32, #tpu.memory_space<hbm>> -> memref<10000x128xf32, #tpu.memory_space<hbm>>
      tpu.enqueue_indirect_dma source(%dma_start3A_39 : memref<10000x128xf32, #tpu.memory_space<hbm>>) target(%dma_start3A_34 : memref<128x128xf32, #tpu.memory_space<vmem>>) offsets(%dma_start3A_36 : memref<128xi32, #tpu.memory_space<vmem>>) semaphore(%arg9 : memref<!tpu.dma_semaphore, #tpu.memory_space<semaphore_mem>>)
      %dma_wait3A = arith.constant 0 : i32
      %dma_wait3A_40 = arith.constant 0 : i32
      %dma_wait3A_41 = arith.constant 0 : i32
      %dma_wait3A_42 = tpu.memref_slice %arg7[%dma_wait3A, %dma_wait3A_40, %dma_wait3A_41] : memref<2x128x128xf32, #tpu.memory_space<vmem>> -> memref<1x128x128xf32, #tpu.memory_space<vmem>>
      %dma_wait3A_43 = tpu.memref_squeeze %dma_wait3A_42 : memref<1x128x128xf32, #tpu.memory_space<vmem>> -> memref<128x128xf32, #tpu.memory_space<vmem>>
      %dma_wait3A_44 = arith.constant 0 : i32
      %dma_wait3A_45 = tpu.memref_slice %arg5[%dma_wait3A_44] : memref<3328xi32, #tpu.memory_space<vmem>> -> memref<128xi32, #tpu.memory_space<vmem>>
      %dma_wait3A_46 = arith.constant 0 : i32
      %dma_wait3A_47 = arith.constant 0 : i32
      %dma_wait3A_48 = tpu.memref_slice %arg2[%dma_wait3A_46, %dma_wait3A_47] : memref<10000x128xf32, #tpu.memory_space<hbm>> -> memref<10000x128xf32, #tpu.memory_space<hbm>>
      tpu.wait_indirect_dma semaphore(%arg9 : memref<!tpu.dma_semaphore, #tpu.memory_space<semaphore_mem>>) src(%dma_wait3A_48 : memref<10000x128xf32, #tpu.memory_space<hbm>>) dst(%dma_wait3A_43 : memref<128x128xf32, #tpu.memory_space<vmem>>)
      %dma_start3A_49 = arith.constant 0 : i32
      %dma_start3A_50 = arith.constant 0 : i32
      %dma_start3A_51 = arith.constant 0 : i32
      %dma_start3A_52 = tpu.memref_slice %arg7[%dma_start3A_49, %dma_start3A_50, %dma_start3A_51] : memref<2x128x128xf32, #tpu.memory_space<vmem>> -> memref<1x128x128xf32, #tpu.memory_space<vmem>>
      %dma_start3A_53 = tpu.memref_squeeze %dma_start3A_52 : memref<1x128x128xf32, #tpu.memory_space<vmem>> -> memref<128x128xf32, #tpu.memory_space<vmem>>
      %dma_start3A_54 = arith.constant 0 : i32
      %dma_start3A_55 = tpu.memref_slice %arg6[%dma_start3A_54] : memref<3328xi32, #tpu.memory_space<vmem>> -> memref<128xi32, #tpu.memory_space<vmem>>
      %dma_start3A_56 = arith.constant 0 : i32
      %dma_start3A_57 = arith.constant 0 : i32
      %dma_start3A_58 = tpu.memref_slice %arg8[%dma_start3A_56, %dma_start3A_57] : memref<10240x128xf32, #tpu.memory_space<vmem_shared>> -> memref<10240x128xf32, #tpu.memory_space<vmem_shared>>
      tpu.enqueue_indirect_dma source(%dma_start3A_53 : memref<128x128xf32, #tpu.memory_space<vmem>>) target(%dma_start3A_58 : memref<10240x128xf32, #tpu.memory_space<vmem_shared>>) offsets(%dma_start3A_55 : memref<128xi32, #tpu.memory_space<vmem>>) semaphore(%arg11 : memref<!tpu.dma_semaphore, #tpu.memory_space<semaphore_mem>>) {add = true}
      %dma_wait3A_59 = arith.constant 0 : i32
      %dma_wait3A_60 = arith.constant 0 : i32
      %dma_wait3A_61 = arith.constant 0 : i32
      %dma_wait3A_62 = tpu.memref_slice %arg7[%dma_wait3A_59, %dma_wait3A_60, %dma_wait3A_61] : memref<2x128x128xf32, #tpu.memory_space<vmem>> -> memref<1x128x128xf32, #tpu.memory_space<vmem>>
      %dma_wait3A_63 = tpu.memref_squeeze %dma_wait3A_62 : memref<1x128x128xf32, #tpu.memory_space<vmem>> -> memref<128x128xf32, #tpu.memory_space<vmem>>
      %dma_wait3A_64 = arith.constant 0 : i32
      %dma_wait3A_65 = tpu.memref_slice %arg6[%dma_wait3A_64] : memref<3328xi32, #tpu.memory_space<vmem>> -> memref<128xi32, #tpu.memory_space<vmem>>
      %dma_wait3A_66 = arith.constant 0 : i32
      %dma_wait3A_67 = arith.constant 0 : i32
      %dma_wait3A_68 = tpu.memref_slice %arg8[%dma_wait3A_66, %dma_wait3A_67] : memref<10240x128xf32, #tpu.memory_space<vmem_shared>> -> memref<10240x128xf32, #tpu.memory_space<vmem_shared>>
      tpu.wait_indirect_dma semaphore(%arg11 : memref<!tpu.dma_semaphore, #tpu.memory_space<semaphore_mem>>) src(%dma_wait3A_63 : memref<128x128xf32, #tpu.memory_space<vmem>>) dst(%dma_wait3A_68 : memref<10240x128xf32, #tpu.memory_space<vmem_shared>>)
    } else {
    }
    %barrier3A_23 = arith.constant 0 : index
    tpu.barrier barrier_id(%barrier3A_23)
    %mul3A_24 = arith.constant 640 : i32
    %mul3A_25 = arith.muli %arg1, %mul3A_24 : i32
    %mul3A_26 = arith.constant 640 : i32
    %mul3A_27 = arith.muli %arg1, %mul3A_26 : i32
    "tpu.region"() ({
      %run_scoped3A = tpu.sem_alloc : memref<!tpu.dma_semaphore, #tpu.memory_space<semaphore_mem>>
      %dma_start3A = arith.constant 0 : i32
      %dma_start3A_28 = arith.constant 0 : i32
      %dma_start3A_29 = tpu.memref_slice %arg4[%arg0, %dma_start3A, %dma_start3A_28] : memref<2x10240x128xf32, #tpu.memory_space<hbm>> -> memref<1x10240x128xf32, #tpu.memory_space<hbm>>
      %dma_start3A_30 = tpu.memref_squeeze %dma_start3A_29 : memref<1x10240x128xf32, #tpu.memory_space<hbm>> -> memref<10240x128xf32, #tpu.memory_space<hbm>>
      %dma_start3A_31 = arith.constant 0 : i32
      %dma_start3A_32 = tpu.memref_slice %dma_start3A_30[%mul3A_27, %dma_start3A_31] : memref<10240x128xf32, #tpu.memory_space<hbm>> -> memref<640x128xf32, #tpu.memory_space<hbm>>
      %dma_start3A_33 = arith.constant 0 : i32
      %dma_start3A_34 = tpu.memref_slice %arg8[%mul3A_25, %dma_start3A_33] : memref<10240x128xf32, #tpu.memory_space<vmem_shared>> -> memref<640x128xf32, #tpu.memory_space<vmem_shared>>
      tpu.enqueue_dma source(%dma_start3A_34 : memref<640x128xf32, #tpu.memory_space<vmem_shared>>) target(%dma_start3A_32 : memref<640x128xf32, #tpu.memory_space<hbm>>) target_semaphore(%run_scoped3A : memref<!tpu.dma_semaphore, #tpu.memory_space<semaphore_mem>>)
      %dma_wait3A = arith.constant 0 : i32
      %dma_wait3A_35 = arith.constant 0 : i32
      %dma_wait3A_36 = tpu.memref_slice %arg4[%arg0, %dma_wait3A, %dma_wait3A_35] : memref<2x10240x128xf32, #tpu.memory_space<hbm>> -> memref<1x10240x128xf32, #tpu.memory_space<hbm>>
      %dma_wait3A_37 = tpu.memref_squeeze %dma_wait3A_36 : memref<1x10240x128xf32, #tpu.memory_space<hbm>> -> memref<10240x128xf32, #tpu.memory_space<hbm>>
      %dma_wait3A_38 = arith.constant 0 : i32
      %dma_wait3A_39 = tpu.memref_slice %dma_wait3A_37[%mul3A_27, %dma_wait3A_38] : memref<10240x128xf32, #tpu.memory_space<hbm>> -> memref<640x128xf32, #tpu.memory_space<hbm>>
      %dma_wait3A_40 = arith.constant 0 : i32
      %dma_wait3A_41 = tpu.memref_slice %arg8[%mul3A_25, %dma_wait3A_40] : memref<10240x128xf32, #tpu.memory_space<vmem_shared>> -> memref<640x128xf32, #tpu.memory_space<vmem_shared>>
      tpu.wait_dma2 semaphore(%run_scoped3A : memref<!tpu.dma_semaphore, #tpu.memory_space<semaphore_mem>>) src(%dma_wait3A_41 : memref<640x128xf32, #tpu.memory_space<vmem_shared>>) dst(%dma_wait3A_39 : memref<640x128xf32, #tpu.memory_space<hbm>>)
      tpu.yield
    }) : () -> ()
    return
  }
}

module attributes {stable_mosaic.version = 14 : i64} {
  func.func @body(%arg0: i32, %arg1: memref<5000x128xf32, #tpu.memory_space<vmem>>, %arg2: memref<2x5000x128xf32, #tpu.memory_space<vmem>>, %arg3: memref<128x128xf32, #tpu.memory_space<vmem>>, %arg4: memref<1x128xf32, #tpu.memory_space<vmem>>, %arg5: memref<128x128xf32, #tpu.memory_space<vmem>>, %arg6: memref<1x128xf32, #tpu.memory_space<vmem>>, %arg7: memref<1x1xf32, #tpu.memory_space<vmem>>, %arg8: memref<1x128xf32, #tpu.memory_space<vmem>>, %arg9: memref<1x128xf32, #tpu.memory_space<vmem>>, %arg10: memref<5000x128xf32, #tpu.memory_space<vmem>>) attributes {dimension_semantics = [#tpu.dimension_semantics<arbitrary>], iteration_bounds = array<i64: 2>, scalar_prefetch = 0 : i64, scratch_operands = 0 : i64, tpu.core_type = #tpu.core_type<tc>, window_params = [{transform_indices = @transform_0, window_bounds = array<i64: 5000, 128>}, {transform_indices = @transform_1, window_bounds = array<i64: 2, 5000, 128>}, {pipeline_mode = #tpu.pipeline_mode<synchronous>, transform_indices = @transform_2, window_bounds = array<i64: 128, 128>}, {pipeline_mode = #tpu.pipeline_mode<synchronous>, transform_indices = @transform_3, window_bounds = array<i64: 1, 128>}, {pipeline_mode = #tpu.pipeline_mode<synchronous>, transform_indices = @transform_4, window_bounds = array<i64: 128, 128>}, {pipeline_mode = #tpu.pipeline_mode<synchronous>, transform_indices = @transform_5, window_bounds = array<i64: 1, 128>}, {pipeline_mode = #tpu.pipeline_mode<synchronous>, transform_indices = @transform_6, window_bounds = array<i64: 1, 1>}, {pipeline_mode = #tpu.pipeline_mode<synchronous>, transform_indices = @transform_7, window_bounds = array<i64: 1, 128>}, {pipeline_mode = #tpu.pipeline_mode<synchronous>, transform_indices = @transform_8, window_bounds = array<i64: 1, 128>}, {transform_indices = @transform_9, window_bounds = array<i64: 5000, 128>}]} {
    %get3A = arith.constant 0 : index
    %get3A_0 = arith.constant 0 : index
    %get3A_1 = vector.load %arg1[%get3A, %get3A_0] : memref<5000x128xf32, #tpu.memory_space<vmem>>, vector<5000x128xf32>
    %get3A_2 = arith.constant 0 : index
    %get3A_3 = arith.constant 0 : index
    %get3A_4 = vector.load %arg7[%get3A_2, %get3A_3] : memref<1x1xf32, #tpu.memory_space<vmem>>, vector<1x1xf32>
    %get3A_5 = vector.extract %get3A_4[0, 0] : f32 from vector<1x1xf32>
    %add3A = arith.constant 1.000000e+00 : f32
    %add3A_6 = arith.addf %add3A, %get3A_5 : f32
    %mul3A = vector.broadcast %add3A_6 : f32 to vector<5000x128xf32>
    %mul3A_7 = arith.mulf %mul3A, %get3A_1 : vector<5000x128xf32>
    %get3A_8 = arith.constant 0 : index
    %get3A_9 = arith.constant 0 : index
    %get3A_10 = arith.constant 0 : index
    %get3A_11 = vector.load %arg2[%get3A_8, %get3A_9, %get3A_10] : memref<2x5000x128xf32, #tpu.memory_space<vmem>>, vector<1x5000x128xf32>
    %get3A_12 = vector.shape_cast %get3A_11 : vector<1x5000x128xf32> to vector<5000x128xf32>
    %add3A_13 = arith.addf %mul3A_7, %get3A_12 : vector<5000x128xf32>
    %get3A_14 = arith.constant 1 : index
    %get3A_15 = arith.constant 0 : index
    %get3A_16 = arith.constant 0 : index
    %get3A_17 = vector.load %arg2[%get3A_14, %get3A_15, %get3A_16] : memref<2x5000x128xf32, #tpu.memory_space<vmem>>, vector<1x5000x128xf32>
    %get3A_18 = vector.shape_cast %get3A_17 : vector<1x5000x128xf32> to vector<5000x128xf32>
    %add3A_19 = arith.addf %add3A_13, %get3A_18 : vector<5000x128xf32>
    %get3A_20 = arith.constant 0 : index
    %get3A_21 = arith.constant 0 : index
    %get3A_22 = vector.load %arg3[%get3A_20, %get3A_21] : memref<128x128xf32, #tpu.memory_space<vmem>>, vector<128x128xf32>
    %dot_general3A = arith.constant dense<0.000000e+00> : vector<5000x128xf32>
    %dot_general3A_23 = tpu.matmul %add3A_19, %get3A_22, %dot_general3A {dimension_numbers = #tpu.dot_dimension_numbers<[1], [0], [0], [1], [0, 0, 1, 1], [], []>, transpose_lhs_hint = false} : vector<5000x128xf32>, vector<128x128xf32>, vector<5000x128xf32> -> vector<5000x128xf32>
    %get3A_24 = arith.constant 0 : index
    %get3A_25 = arith.constant 0 : index
    %get3A_26 = vector.load %arg4[%get3A_24, %get3A_25] : memref<1x128xf32, #tpu.memory_space<vmem>>, vector<1x128xf32>
    %add3A_27 = vector.broadcast %get3A_26 : vector<1x128xf32> to vector<5000x128xf32>
    %add3A_28 = arith.addf %dot_general3A_23, %add3A_27 : vector<5000x128xf32>
    %max3A = arith.constant 0.000000e+00 : f32
    %max3A_29 = vector.broadcast %max3A : f32 to vector<5000x128xf32>
    %max3A_30 = arith.maximumf %add3A_28, %max3A_29 : vector<5000x128xf32>
    %get3A_31 = arith.constant 0 : index
    %get3A_32 = arith.constant 0 : index
    %get3A_33 = vector.load %arg5[%get3A_31, %get3A_32] : memref<128x128xf32, #tpu.memory_space<vmem>>, vector<128x128xf32>
    %dot_general3A_34 = arith.constant dense<0.000000e+00> : vector<5000x128xf32>
    %dot_general3A_35 = tpu.matmul %max3A_30, %get3A_33, %dot_general3A_34 {dimension_numbers = #tpu.dot_dimension_numbers<[1], [0], [0], [1], [0, 0, 1, 1], [], []>, transpose_lhs_hint = false} : vector<5000x128xf32>, vector<128x128xf32>, vector<5000x128xf32> -> vector<5000x128xf32>
    %get3A_36 = arith.constant 0 : index
    %get3A_37 = arith.constant 0 : index
    %get3A_38 = vector.load %arg6[%get3A_36, %get3A_37] : memref<1x128xf32, #tpu.memory_space<vmem>>, vector<1x128xf32>
    %add3A_39 = vector.broadcast %get3A_38 : vector<1x128xf32> to vector<5000x128xf32>
    %add3A_40 = arith.addf %dot_general3A_35, %add3A_39 : vector<5000x128xf32>
    %max3A_41 = arith.constant 0.000000e+00 : f32
    %max3A_42 = vector.broadcast %max3A_41 : f32 to vector<5000x128xf32>
    %max3A_43 = arith.maximumf %add3A_40, %max3A_42 : vector<5000x128xf32>
    %reduce_sum3A = arith.constant dense<0.000000e+00> : vector<5000xf32>
    %reduce_sum3A_44 = vector.multi_reduction <add>, %max3A_43, %reduce_sum3A [1] : vector<5000x128xf32> to vector<5000xf32>
    %broadcast_in_dim3A = vector.shape_cast %reduce_sum3A_44 : vector<5000xf32> to vector<5000x1xf32>
    %div3A = arith.constant 1.280000e+02 : f32
    %div3A_45 = vector.broadcast %div3A : f32 to vector<5000x1xf32>
    %div3A_46 = arith.divf %broadcast_in_dim3A, %div3A_45 : vector<5000x1xf32>
    %sub3A = vector.broadcast %div3A_46 : vector<5000x1xf32> to vector<5000x128xf32>
    %sub3A_47 = arith.subf %max3A_43, %sub3A : vector<5000x128xf32>
    %mul3A_48 = arith.mulf %sub3A_47, %sub3A_47 : vector<5000x128xf32>
    %reduce_sum3A_49 = arith.constant dense<0.000000e+00> : vector<5000xf32>
    %reduce_sum3A_50 = vector.multi_reduction <add>, %mul3A_48, %reduce_sum3A_49 [1] : vector<5000x128xf32> to vector<5000xf32>
    %broadcast_in_dim3A_51 = vector.shape_cast %reduce_sum3A_50 : vector<5000xf32> to vector<5000x1xf32>
    %div3A_52 = arith.constant 1.280000e+02 : f32
    %div3A_53 = vector.broadcast %div3A_52 : f32 to vector<5000x1xf32>
    %div3A_54 = arith.divf %broadcast_in_dim3A_51, %div3A_53 : vector<5000x1xf32>
    %add3A_55 = arith.constant 9.99999974E-6 : f32
    %add3A_56 = vector.broadcast %add3A_55 : f32 to vector<5000x1xf32>
    %add3A_57 = arith.addf %div3A_54, %add3A_56 : vector<5000x1xf32>
    %rsqrt3A = math.rsqrt %add3A_57 : vector<5000x1xf32>
    %mul3A_58 = vector.broadcast %rsqrt3A : vector<5000x1xf32> to vector<5000x128xf32>
    %mul3A_59 = arith.mulf %sub3A_47, %mul3A_58 : vector<5000x128xf32>
    %get3A_60 = arith.constant 0 : index
    %get3A_61 = arith.constant 0 : index
    %get3A_62 = vector.load %arg8[%get3A_60, %get3A_61] : memref<1x128xf32, #tpu.memory_space<vmem>>, vector<1x128xf32>
    %mul3A_63 = vector.broadcast %get3A_62 : vector<1x128xf32> to vector<5000x128xf32>
    %mul3A_64 = arith.mulf %mul3A_59, %mul3A_63 : vector<5000x128xf32>
    %get3A_65 = arith.constant 0 : index
    %get3A_66 = arith.constant 0 : index
    %get3A_67 = vector.load %arg9[%get3A_65, %get3A_66] : memref<1x128xf32, #tpu.memory_space<vmem>>, vector<1x128xf32>
    %add3A_68 = vector.broadcast %get3A_67 : vector<1x128xf32> to vector<5000x128xf32>
    %add3A_69 = arith.addf %mul3A_64, %add3A_68 : vector<5000x128xf32>
    %add3A_70 = arith.addf %add3A_69, %get3A_1 : vector<5000x128xf32>
    %swap3A = arith.constant 0 : index
    %swap3A_71 = arith.constant 0 : index
    %swap3A_72 = vector.load %arg10[%swap3A, %swap3A_71] : memref<5000x128xf32, #tpu.memory_space<vmem>>, vector<5000x128xf32>
    tpu.vector_store %arg10[%swap3A, %swap3A_71], %add3A_70 {strides = array<i32>} : memref<5000x128xf32, #tpu.memory_space<vmem>>, vector<5000x128xf32>,
    return
  }
  func.func @transform_0(%arg0: i32) -> (i32, i32) {
    %c0_i32 = arith.constant 0 : i32
    %c0_i32_0 = arith.constant 0 : i32
    return %arg0, %c0_i32 : i32, i32
  }
  func.func @transform_1(%arg0: i32) -> (i32, i32, i32) {
    %c0_i32 = arith.constant 0 : i32
    %c0_i32_0 = arith.constant 0 : i32
    %c0_i32_1 = arith.constant 0 : i32
    return %c0_i32, %arg0, %c0_i32_0 : i32, i32, i32
  }
  func.func @transform_2(%arg0: i32) -> (i32, i32) {
    %c0_i32 = arith.constant 0 : i32
    %c0_i32_0 = arith.constant 0 : i32
    %c0_i32_1 = arith.constant 0 : i32
    return %c0_i32, %c0_i32_0 : i32, i32
  }
  func.func @transform_3(%arg0: i32) -> (i32, i32) {
    %c0_i32 = arith.constant 0 : i32
    %c0_i32_0 = arith.constant 0 : i32
    %c0_i32_1 = arith.constant 0 : i32
    return %c0_i32, %c0_i32_0 : i32, i32
  }
  func.func @transform_4(%arg0: i32) -> (i32, i32) {
    %c0_i32 = arith.constant 0 : i32
    %c0_i32_0 = arith.constant 0 : i32
    %c0_i32_1 = arith.constant 0 : i32
    return %c0_i32, %c0_i32_0 : i32, i32
  }
  func.func @transform_5(%arg0: i32) -> (i32, i32) {
    %c0_i32 = arith.constant 0 : i32
    %c0_i32_0 = arith.constant 0 : i32
    %c0_i32_1 = arith.constant 0 : i32
    return %c0_i32, %c0_i32_0 : i32, i32
  }
  func.func @transform_6(%arg0: i32) -> (i32, i32) {
    %c0_i32 = arith.constant 0 : i32
    %c0_i32_0 = arith.constant 0 : i32
    %c0_i32_1 = arith.constant 0 : i32
    return %c0_i32, %c0_i32_0 : i32, i32
  }
  func.func @transform_7(%arg0: i32) -> (i32, i32) {
    %c0_i32 = arith.constant 0 : i32
    %c0_i32_0 = arith.constant 0 : i32
    %c0_i32_1 = arith.constant 0 : i32
    return %c0_i32, %c0_i32_0 : i32, i32
  }
  func.func @transform_8(%arg0: i32) -> (i32, i32) {
    %c0_i32 = arith.constant 0 : i32
    %c0_i32_0 = arith.constant 0 : i32
    %c0_i32_1 = arith.constant 0 : i32
    return %c0_i32, %c0_i32_0 : i32, i32
  }
  func.func @transform_9(%arg0: i32) -> (i32, i32) {
    %c0_i32 = arith.constant 0 : i32
    %c0_i32_0 = arith.constant 0 : i32
    return %arg0, %c0_i32 : i32, i32
  }
}

</mosaic_0001>

<sc_bundles>
// kernel: kernel.4.cloned.1.call-start
scs
__scs_entry_jumppad:
0x0: {  	(pc) =	sbr.rel $0x88, $3  }
0x1: {  	(tag) =	ssettag $0x0;
	lr =	simm.s32 $0x1  }
0x2: {  	[smem:$0x3F98] =	sst lr;
	_ =	strace $0xD0000000  }
0x3: {  	_ = 	snop  }
0x4: {  	_ = 	snop  }
0x5: {  	_ = 	snop  }
0x6: {  	_ = 	snop  }
0x7: {  	_ = 	snop  }
__scs_overlays_trampoline_lowered:
0x8: {  	[smem:$0x3FA7] =	sst s0  }
0x9: {  	[smem:$0x3FA8] =	sst s1  }
0xa: {  	[smem:$0x3FA9] =	sst s2  }
0xb: {  	[smem:$0x3FAA] =	sst s3  }
0xc: {  	[smem:$0x3FAB] =	sst s4  }
0xd: {  	[smem:$0x3FAC] =	sst s5  }
0xe: {  	[smem:$0x3FAD] =	sst s6  }
0xf: {  	[smem:$0x3FAE] =	sst s7  }
0x10: {  	[smem:$0x3FAF] =	sst s8  }
0x11: {  	[smem:$0x3FB0] =	sst s9;
	s0 =	simm.s32 @!p0 $0x0  }
0x12: {  	s1 =	sld [smem:$0x3F96];
	s0 =	simm.s32 @p0 $0x1  }
0x13: {  	[smem:$0x3FB1] =	sst s0;
	s0 =	simm.s32 @!p1 $0x0  }
0x14: {  	s2 =	sld [smem:$0x3F95];
	s0 =	simm.s32 @p1 $0x1  }
0x15: {  	[smem:$0x3FB2] =	sst s0;
	s0 =	simm.s32 @!p2 $0x0  }
0x16: {  	s3 =	sld [smem:$0x3FDB];
	s0 =	simm.s32 @p2 $0x1  }
0x17: {  	s4 =	simm.s32 $0x1BF5;
	[smem:$0x3FB4] =	sst s0  }
0x18: {  	s0 =	sld [smem:$0x3F97];
	_ =	swait.ge [sflag:s4], $0x0  }
0x19: {  	s7 =	sld [smem:$0x3F98]  }
0x1a: {  	s8 =	sadd.s32 $0xFFFFE003, lr  }
0x1b: {  	s9 =	sadd.s32 $0xFFFFFEF7, lr;
	s5 =	simm.s32 $0xFFFFFFFF;
	p2 =	slt.u32 s8, $0xFFFFF086  }
0x1c: {  	p1 =	slt.u32 s9, $0xF7A;
	s5 =	simm.s32 @!p2 $0x0  }
0x1d: {  	s5 =	simm.s32 @p1 $0x1;
	p0 =	seq.s32 s7, s2  }
0x1e: {  	s7 =	smul.u32 @!p0 $0xF7A, s2;
	p2 =	seq.s32 @!p0 s5, $0x0  }
0x1f: {  	s9 =	smul.u32 $0xF7A, s1;
	s8 =	simm.s32 @!p0 $0x1BF5;
	p2 =	por !p2, p0  }
0x20: {  	[sflag:s8] =	ssyncset.s32 @!p0 $0xFFFFF086;
	s6 =	sadd.s32 @!p0 s3, s7;
	s7 =	simm.s32 @!p0 $0x108  }
0x21: {  	s3 =	sadd.s32 s3, s9;
	s6 =	sadd.s32 @!p0 $0x88, s6;
	s7 =	simm.s32 @p2 $0x1082  }
0x22: {  	[simem:s7], [sflag:s8] =	dma.local @!p0 [hbm:s6], $0xF7A  }
0x23: {  	s9 =	sor.u32 $0xD0000000, s2;
	s6 =	simm.s32 $0x108;
	_ =	swait.ge @!p0 [sflag:s8], $0x0  }
0x24: {  	s3 =	sadd.s32 $0x88, s3;
	s6 =	simm.s32 @!p1 $0x1082;
	[sflag:s4] =	ssyncset.s32 $0xFFFFF086  }
0x25: {  	[simem:s6], [sflag:s4] =	dma.local [hbm:s3], $0xF7A  }
0x26: {  	[smem:$0x3F98] =	sst s1;
	(tag) =	ssettag s2;
	_ =	strace s9  }
0x27: {  	s1 =	sld [smem:$0x3FA8]  }
0x28: {  	s2 =	sld [smem:$0x3FA9]  }
0x29: {  	s4 =	sld [smem:$0x3FAB]  }
0x2a: {  	p0 =	seq.s32 s5, $0x0;
	s5 =	sld [smem:$0x3FAC]  }
0x2b: {  	s6 =	sld [smem:$0x3FAD]  }
0x2c: {  	s7 =	sld [smem:$0x3FAE]  }
0x2d: {  	s3 =	simm.s32 $0x108;
	s8 =	sld [smem:$0x3FAF]  }
0x2e: {  	s3 =	simm.s32 @!p0 $0x1082;
	s9 =	sld [smem:$0x3FB0]  }
0x2f: {  	lr =	sadd.s32 s0, s3;
	s0 =	sld [smem:$0x3FA7]  }
0x30: {  	s3 =	sld [smem:$0x3FAA]  }
0x31: {  	[smem:$0x3FB3] =	sst s10  }
0x32: {  	s10 =	sld [smem:$0x3FB1];
	_ =	sdelay $0x3  }
0x33: {  	p0 =	seq.s32 s10, $0x1;
	s10 =	sld [smem:$0x3FB3];
	_ =	sdelay $0x3  }
0x34: {  	[smem:$0x3FB3] =	sst s10  }
0x35: {  	s10 =	sld [smem:$0x3FB2];
	_ =	sdelay $0x3  }
0x36: {  	p1 =	seq.s32 s10, $0x1;
	s10 =	sld [smem:$0x3FB3];
	_ =	sdelay $0x3  }
0x37: {  	[smem:$0x3FB3] =	sst s10  }
0x38: {  	s10 =	sld [smem:$0x3FB4]  }
0x39: {  	_ = 	snop;
	(pc) =	sbr.ind lr, $3  }
0x3a: {  	_ = 	snop  }
0x3b: {  	_ = 	snop  }
0x3c: {  	p2 =	seq.s32 s10, $0x1;
	s10 =	sld [smem:$0x3FB3]  }
0x3d: {  	_ =	shalt  }
0x3e: {  	_ =	shalt  }
0x3f: {  	_ =	shalt  }
0x40: {  	_ =	shalt  }
0x41: {  	_ =	shalt  }
0x42: {  	_ =	shalt  }
0x43: {  	_ =	shalt  }
0x44: {  	_ =	shalt  }
0x45: {  	_ =	shalt  }
0x46: {  	_ =	shalt  }
0x47: {  	_ =	shalt  }
0x48: {  	_ =	shalt  }
0x49: {  	_ =	shalt  }
0x4a: {  	_ =	shalt  }
0x4b: {  	_ =	shalt  }
0x4c: {  	_ =	shalt  }
0x4d: {  	_ =	shalt  }
0x4e: {  	_ =	shalt  }
0x4f: {  	_ =	shalt  }
0x50: {  	_ =	shalt  }
0x51: {  	_ =	shalt  }
0x52: {  	_ =	shalt  }
0x53: {  	_ =	shalt  }
0x54: {  	_ =	shalt  }
0x55: {  	_ =	shalt  }
0x56: {  	_ =	shalt  }
0x57: {  	_ =	shalt  }
0x58: {  	_ =	shalt  }
0x59: {  	_ =	shalt  }
0x5a: {  	_ =	shalt  }
0x5b: {  	_ =	shalt  }
0x5c: {  	_ =	shalt  }
0x5d: {  	_ =	shalt  }
0x5e: {  	_ =	shalt  }
0x5f: {  	_ =	shalt  }
0x60: {  	_ =	shalt  }
0x61: {  	_ =	shalt  }
0x62: {  	_ =	shalt  }
0x63: {  	_ =	shalt  }
0x64: {  	_ =	shalt  }
0x65: {  	_ =	shalt  }
0x66: {  	_ =	shalt  }
0x67: {  	_ =	shalt  }
0x68: {  	_ =	shalt  }
0x69: {  	_ =	shalt  }
0x6a: {  	_ =	shalt  }
0x6b: {  	_ =	shalt  }
0x6c: {  	_ =	shalt  }
0x6d: {  	_ =	shalt  }
0x6e: {  	_ =	shalt  }
0x6f: {  	_ =	shalt  }
0x70: {  	_ =	shalt  }
0x71: {  	_ =	shalt  }
0x72: {  	_ =	shalt  }
0x73: {  	_ =	shalt  }
0x74: {  	_ =	shalt  }
0x75: {  	_ =	shalt  }
0x76: {  	_ =	shalt  }
0x77: {  	_ =	shalt  }
0x78: {  	_ =	shalt  }
0x79: {  	_ =	shalt  }
0x7a: {  	_ =	shalt  }
0x7b: {  	_ =	shalt  }
0x7c: {  	_ =	shalt  }
0x7d: {  	_ =	shalt  }
0x7e: {  	_ =	shalt  }
0x7f: {  	_ =	shalt  }
0x80: {  	_ =	shalt  }
0x81: {  	_ =	shalt  }
0x82: {  	_ =	shalt  }
0x83: {  	_ =	shalt  }
0x84: {  	_ =	shalt  }
0x85: {  	_ =	shalt  }
0x86: {  	_ =	shalt  }
0x87: {  	_ =	shalt  }
.Lfunc_end0:
.L_simem_size_0:
called_computation_lowered:
.L_overlay_start_0:
0x88: {  	s2 =	sld [smem:$0x3FD9]  }
0x89: {  	s3 =	sld [smem:$0x3FFE];
	_ =	sdelay $0x1  }
0x8a: {  	s1 =	srdreg.scid  }
0x8b: {  	s0 =	sand.u32 $0x1, s1  }
0x8c: {  	s17 =	sshll.u32 s0, $0xA;
	s2 =	sadd.s32 s3, s2  }
0x8d: {  	s2 =	sadd.s32 s2, s17  }
0x8e: {  	[smem:$0x3FBF] =	sst s2  }
0x8f: {  	_ = 	snop  }
0x90: {  	s2 =	sld [smem:$0x3FC9]  }
0x91: {  	s18 =	sld [smem:$0x3FC8];
	(tm) =	ssettm $0x1  }
0x92: {  	s4 =	sld [smem:$0x3FFB];
	_ =	sdelay $0x3  }
0x93: {  	_ =	strace s4  }
0x94: {  	s4 =	sld [smem:$0x3FFC];
	_ =	sdelay $0x3  }
0x95: {  	_ =	strace s4  }
0x96: {  	s4 =	sld [smem:$0x3FFD];
	_ =	sdelay $0x3  }
0x97: {  	_ =	strace s4  }
0x98: {  	_ =	strace $0x8FFFFFFF  }
0x99: {  	s19 =	sld [smem:$0x3FDB];
	_ =	sdelay $0x1  }
0x9a: {  	s5 =	simm.s32 $_scs_section_size  }
0x9b: {  	s6 =	simm.s32 $_size__tile_overlayer_lowered;
	s7 =	simm.s32 $_tile_overlayer_lowered  }
0x9c: {  	s22 =	simm.s32 $0x1BFF;
	s21 =	sshll.u32 s7, $0x1;
	s4 =	sadd.s32 s5, s19  }
0x9d: {  	s8 =	simm.s32 $0x0;
	s20 =	sshll.u32 s6, $0x1;
	s6 =	sadd.s32 s21, s4  }
0x9e: {  	[timem:s8], [sflag:s22] =	dma.local [hbm:s6], s20  }
0x9f: {  	_ =	swait.ge [sflag:s22], s20  }
0xa0: {  	s5 =	ssub.s32 $0x0, s20;
	[sflag:s22] =	ssyncset.done $0x0  }
0xa1: {  	[sflag:s22] =	ssyncadd.s32 s5;
	_ =	sdelay $0x1  }
0xa2: {  	s23 =	simm.s32 $0x1B8B  }
0xa3: {  	_ =	swait.ge [sflag:s23], $0x1  }
0xa4: {  	[sflag:s23] =	ssyncset.done $0x0  }
0xa5: {  	s25 =	simm.s32 $0x1B8E;
	s24 =	sld [smem:$0x3FFE];
	[sflag:s23] =	ssyncadd.s32 $0xFFFFFFFF  }
0xa6: {  	s26 =	simm.s32 $execute0_lowered;
	[smem:$0x3FD2] =	sst s25  }
0xa7: {  	s6 =	sshll.u32 s26, $0x1;
	_ =	strace $0x80000046;
	[dreg:$0x1] =	wrdreg $0xFFFFFFFF  }
0xa8: {  	s28 =	simm.s32 $_size_execute0_lowered;
	s4 =	sadd.s32 s4, s6;
	[dreg:$0x0] =	wrdreg $0x0  }
0xa9: {  	s6 =	sshll.u32 s28, $0x1;
	[dreg:$0x2] =	wrdreg s4  }
0xaa: {  	[dreg:$0x3] =	wrdreg s6  }
0xab: {  	[dreg:$0x4] =	wrdreg $0xC0  }
0xac: {  	_ =	task [dreg:s8], $0x5FFFF  }
0xad: {  	[dreg:$0x1] =	wrdreg $0xFFFFFFFF  }
0xae: {  	[dreg:$0x0] =	wrdreg $0x60  }
0xaf: {  	[dreg:$0x2] =	wrdreg s2  }
0xb0: {  	[dreg:$0x3] =	wrdreg s18  }
0xb1: {  	[dreg:$0x4] =	wrdreg s24  }
0xb2: {  	[dreg:$0x5] =	wrdreg $0x9A000  }
0xb3: {  	[dreg:$0x6] =	wrdreg $0x9  }
0xb4: {  	_ =	task.clear_ibuf [dreg:s8], $0x7FFFF;
	_ =	strace $0x90000046  }
0xb5: {  	s29 =	simm.s32 $0x9;
	_ =	strace $0x80000048  }
0xb6: {  	_ =	swait.ge [sflag:s29], $0x1  }
0xb7: {  	[sflag:s29] =	ssyncadd.s32 $0xFFFFFFFF  }
0xb8: {  	_ =	strace $0x90000048  }
0xb9: {  	_ =	sfence  }
0xba: {  	s30 =	sld [smem:$0x0];
	_ =	sdelay $0x2  }
0xbb: {  	s31 =	sshll.u32 s1, $0xD;
	s1 =	sshrl.u32 s1, $0x2  }
0xbc: {  	s3 =	sand.u32 $0x4000, s31;
	s1 =	sadd.s32 s1, s30  }
0xbd: {  	s0 =	sor.u32 s3, s0;
	s1 =	sshll.u32 s1, $0x11  }
0xbe: {  	s0 =	sor.u32 s1, s0  }
0xbf: {  	s0 =	sadd.s32 $0x8F2B, s0  }
0xc0: {  	[sflag:s0] =	ssyncadd.remote.s32 $0x1  }
0xc1: {  	_ =	sfence.sel $0xFFFF  }
0xc2: {  	[dreg:$0x0] =	wrdreg $0xFFFFFFFF;
	(pc) =	sbr.abs _section_cstart, $3  }
0xc3: {  	[dreg:$0x1] =	wrdreg $0xFFFFFFFF  }
0xc4: {  	_ =	task.clear_ibuf [dreg:s8], $0x2FFFF;
	_ =	strace $0x9FFFFFFF  }
0xc5: {  	(tm) =	ssettm $0x7FFFFFFF  }
tec
execute0_lowered:
.L_overlay_start_1:
0x0: {  	(tag) =	ssettag $0x1  }
0x1: {  	s1 =	rddreg [dreg:$0x0]  }
0x2: {  	s0 =	rddreg [dreg:$0x1]  }
0x3: {  	s3 =	rddreg [dreg:$0x2]  }
0x4: {  	s2 =	rddreg [dreg:$0x3]  }
0x5: {  	s4 =	srdreg.scid;
	s11 =	stileid.u32;
	s20 =	simm.s32 $0x1A00  }
0x6: {  	s21 =	simm.s32 $0x5;
	s28 =	simm.s32 $0x1;
	s29 =	simm.s32 $0x2  }
0x7: {  	s30 =	simm.s32 $0x3;
	s31 =	simm.s32 $0x4;
	s5 =	sand.u32 $0x1, s4  }
0x8: {  	s4 =	simm.s32 $0x0;
	s9 =	smul.u32 $0x50000, s11;
	s6 =	sshll.u32 s5, $0x4  }
0x9: {  	[smem:$0x7FF] =	sst s4;
	s7 =	smul.u32 $0x28000, s5;
	s5 =	ssub.s32 $0x2, s5  }
0xa: {  	s23 =	sor.u32 s11, s6;
	_ =	strace $0x80000047;
	s22 =	sshrl.u32 s5, $0x1  }
0xb: {  	s24 =	sshrl.u32 s9, $0x2;
	s6 =	smul.u32 $0x4E, s23;
	s8 =	smin.u32 s23, $0x4  }
0xc: {  	s3 =	sadd.s32 s7, s3;
	s10 =	ssub.s32 s5, s22;
	s7 =	sadd.s32 $0x10, s0  }
0xd: {  	s22 =	simm.s32 $0x80;
	p0 =	sgt.u32 s23, $0x3;
	s23 =	simm.s32 $0x100  }
0xe: {  	s3 =	sadd.s32 $0x1400, s3;
	s26 =	smax.u32 s10, $0x1;
	s6 =	sadd.s32 s8, s6  }
0xf: {  	[dreg:$0x6] =	wrdreg s26;
	s26 =	simm.s32 $0x5A00;
	s5 =	sshll.u32 s6, $0x5  }
0x10: {  	s6 =	sadd.s32 s24, s2;
	s24 =	smul.u32 $0x2800, s11;
	s8 =	sadd.s32 $0x9C0, s5  }
0x11: {  	s11 =	sadd.s32 $0x4000, s6;
	s12 =	sadd.s32 $0x8000, s6;
	s13 =	sadd.s32 $0xC000, s6  }
0x12: {  	s15 =	sadd.s32 $0x340, s5;
	s16 =	sadd.s32 $0x680, s5;
	s14 =	sadd.s32 $0x10000, s6  }
0x13: {  	s17 =	sadd.s32 s0, s5;
	s25 =	sadd.s32 s0, s8;
	s15 =	sand.u32 $0x1FFFFFE0, s15  }
0x14: {  	s16 =	sand.u32 $0x1FFFFFE0, s16;
	s24 =	sadd.s32 s24, s3;
	[dreg:$0x5] =	wrdreg s25  }
0x15: {  	v0 =	vimm.f32 $0.0e+00;
	s18 =	sadd.s32 s0, s15;
	s19 =	sadd.s32 s0, s16;
	s25 =	simm.s32 $0xD00  }
.LBB2_1:
0x16: {  	s0 =	simm.s32 $0x0;
	s3 =	simm.s32 $0x200  }
.LBB2_2:
0x17: {  	p1 =	sne.s32 s3, $0xFE00;
	[tilespmem:s0+$0x1A70] =	vst v0  }
0x18: {  	[tilespmem:s0+$0x1A00] =	vst v0  }
0x19: {  	[tilespmem:s0+$0x1A10] =	vst v0  }
.Ltmp0:
0x1a: {  	[tilespmem:s0+$0x1A20] =	vst v0;
	(pc) =	sbr.rel @p1 .LBB2_2-.Ltmp0, $4  }
0x1b: {  	[tilespmem:s0+$0x1A30] =	vst v0  }
0x1c: {  	[tilespmem:s0+$0x1A40] =	vst v0  }
0x1d: {  	[tilespmem:s0+$0x1A50] =	vst v0  }
0x1e: {  	[tilespmem:s0+$0x1A60] =	vst v0;
	s0 =	sshra.s32 s3, $0x2;
	s3 =	sadd.s32 $0x200, s3  }
0x1f: {  	[tilespmem:s0+$0x1A70] =	vst v0  }
0x20: {  	[tilespmem:s0+$0x1A00] =	vst v0  }
0x21: {  	[tilespmem:s0+$0x1A10] =	vst v0  }
0x22: {  	[tilespmem:s0+$0x1A20] =	vst v0  }
0x23: {  	[tilespmem:s0+$0x1A30] =	vst v0  }
0x24: {  	[tilespmem:s0+$0x1A40] =	vst v0  }
0x25: {  	[tilespmem:s0+$0x1A50] =	vst v0  }
0x26: {  	[tilespmem:s0+$0x1A60] =	vst v0  }
0x27: {  	[spmem:s6] =	stream.linear.scatter [tilespmem:s20], [sflag:$0x5], $0x4000, $0x38;
	[tilespmem:$0x1DA00] =	vst v63  }
0x28: {  	_ =	swait.ge [sflag:s21], $0x4000  }
0x29: {  	[sflag:s21] =	ssyncset.done $0x0  }
0x2a: {  	[sflag:s21] =	ssyncadd.s32 $0xFFFFC000  }
0x2b: {  	[spmem:s11] =	stream.linear.scatter [tilespmem:s20], [sflag:$0x5], $0x4000, $0x38;
	[tilespmem:$0x1DA00] =	vst v63  }
0x2c: {  	_ =	swait.ge [sflag:s21], $0x4000  }
0x2d: {  	[sflag:s21] =	ssyncset.done $0x0  }
0x2e: {  	[sflag:s21] =	ssyncadd.s32 $0xFFFFC000  }
0x2f: {  	[spmem:s12] =	stream.linear.scatter [tilespmem:s20], [sflag:$0x5], $0x4000, $0x38;
	[tilespmem:$0x1DA00] =	vst v63  }
0x30: {  	_ =	swait.ge [sflag:s21], $0x4000  }
0x31: {  	[sflag:s21] =	ssyncset.done $0x0  }
0x32: {  	[sflag:s21] =	ssyncadd.s32 $0xFFFFC000  }
0x33: {  	[spmem:s13] =	stream.linear.scatter [tilespmem:s20], [sflag:$0x5], $0x4000, $0x38;
	[tilespmem:$0x1DA00] =	vst v63  }
0x34: {  	_ =	swait.ge [sflag:s21], $0x4000  }
0x35: {  	[sflag:s21] =	ssyncset.done $0x0  }
0x36: {  	[sflag:s21] =	ssyncadd.s32 $0xFFFFC000  }
0x37: {  	[spmem:s14] =	stream.linear.scatter [tilespmem:s20], [sflag:$0x5], $0x4000, $0x38;
	[tilespmem:$0x1DA00] =	vst v63  }
0x38: {  	_ =	swait.ge [sflag:s21], $0x4000  }
0x39: {  	[sflag:s21] =	ssyncset.done $0x0  }
0x3a: {  	[sflag:s21] =	ssyncadd.s32 $0xFFFFC000  }
0x3b: {  	s3 =	simm.s32 $0x0;
	[bflag:$0x0] =	sbarrier.arrive $0xFFFF  }
0x3c: {  	[tilespmem:s3], [sflag:$0x5] =	stream.strided.gather [hbm4b:s17+s22], $0xD00, s23, s22, $0x38;
	[tilespmem:$0x1DA00] =	vst v63  }
0x3d: {  	_ =	swait.ge [sflag:s21], $0xD00  }
0x3e: {  	[sflag:s21] =	ssyncset.done $0x0  }
0x3f: {  	s9 =	sadd.s32 s5, s7;
	[sflag:s21] =	ssyncadd.s32 $0xFFFFF300  }
0x40: {  	[tilespmem:s25], [sflag:$0x5] =	stream.strided.gather [hbm4b:s9+s22], $0xD00, s23, s22, $0x38;
	[tilespmem:$0x1DA00] =	vst v63  }
0x41: {  	_ =	swait.ge [sflag:s21], $0xD00  }
0x42: {  	[sflag:s21] =	ssyncset.done $0x0  }
0x43: {  	s10 =	simm.s32 $0x0;
	[sflag:s21] =	ssyncadd.s32 $0xFFFFF300  }
0x44: {  	[tilespmem:s20], [sflag:$0x1] =	stream.indirect.gather [hbm4b:s1+s22], $0x80, s10, s22, $0xb8;
	[tilespmem:$0x1DA00] =	vst v63  }
0x45: {  	s3 =	simm.s32 $0x80  }
0x46: {  	[tilespmem:s26], [sflag:$0x2] =	stream.indirect.gather [hbm4b:s1+s22], $0x80, s3, s22, $0xb8;
	[tilespmem:$0x1DA00] =	vst v63  }
0x47: {  	_ =	swait.ge [sflag:s28], $0x4000  }
0x48: {  	[sflag:s28] =	ssyncset.done $0x0  }
0x49: {  	s9 =	simm.s32 $0xD00;
	[sflag:s28] =	ssyncadd.s32 $0xFFFFC000  }
0x4a: {  	[spmem:s2] =	stream.indirect.scatter.add.f32 [tilespmem:s20], [sflag:$0x3], $0x80, s9, s22, $0xb8;
	[tilespmem:$0x1DA00] =	vst v63  }
0x4b: {  	_ =	swait.ge [sflag:s29], $0x4000  }
0x4c: {  	[sflag:s29] =	ssyncset.done $0x0  }
0x4d: {  	s10 =	simm.s32 $0xD80;
	[sflag:s29] =	ssyncadd.s32 $0xFFFFC000  }
0x4e: {  	[spmem:s2] =	stream.indirect.scatter.add.f32 [tilespmem:s26], [sflag:$0x4], $0x80, s10, s22, $0xb8;
	[tilespmem:$0x1DA00] =	vst v63  }
0x4f: {  	_ =	swait.ge [sflag:s30], $0x4000  }
0x50: {  	[sflag:s30] =	ssyncset.done $0x0  }
0x51: {  	[sflag:s30] =	ssyncadd.s32 $0xFFFFC000  }
0x52: {  	_ =	swait.ge [sflag:s31], $0x4000  }
0x53: {  	s0 =	simm.s32 $0x400;
	s3 =	simm.s32 $0x800;
	[sflag:s31] =	ssyncset.done $0x0  }
.LBB2_4:
0x54: {  	s9 =	sshra.s32 s0, $0x2  }
0x55: {  	[sflag:s31] =	ssyncadd.s32 $0xFFFFC000;
	s0 =	smov.u32 s3;
	s10 =	sadd.s32 $0x400, s3  }
0x56: {  	[tilespmem:s20], [sflag:$0x1] =	stream.indirect.gather [hbm4b:s1+s22], $0x80, s9, s22, $0xb8;
	[tilespmem:$0x1DA00] =	vst v63  }
0x57: {  	p1 =	sne.s32 s3, $0x3000;
	s3 =	sadd.s32 $0x80, s9  }
0x58: {  	[tilespmem:s26], [sflag:$0x2] =	stream.indirect.gather [hbm4b:s1+s22], $0x80, s3, s22, $0xb8;
	[tilespmem:$0x1DA00] =	vst v63  }
0x59: {  	_ =	swait.ge [sflag:s28], $0x4000  }
0x5a: {  	[sflag:s28] =	ssyncset.done $0x0  }
0x5b: {  	s3 =	sadd.s32 $0xD00, s9;
	[sflag:s28] =	ssyncadd.s32 $0xFFFFC000  }
0x5c: {  	[spmem:s2] =	stream.indirect.scatter.add.f32 [tilespmem:s20], [sflag:$0x3], $0x80, s3, s22, $0xb8;
	[tilespmem:$0x1DA00] =	vst v63  }
0x5d: {  	_ =	swait.ge [sflag:s29], $0x4000  }
0x5e: {  	[sflag:s29] =	ssyncset.done $0x0  }
0x5f: {  	s3 =	sadd.s32 $0xD80, s9;
	[sflag:s29] =	ssyncadd.s32 $0xFFFFC000  }
0x60: {  	[spmem:s2] =	stream.indirect.scatter.add.f32 [tilespmem:s26], [sflag:$0x4], $0x80, s3, s22, $0xb8;
	[tilespmem:$0x1DA00] =	vst v63  }
.Ltmp1:
0x61: {  	_ =	swait.ge [sflag:s30], $0x4000;
	(pc) =	sbr.rel @p1 .LBB2_4-.Ltmp1, $4  }
0x62: {  	[sflag:s30] =	ssyncset.done $0x0  }
0x63: {  	[sflag:s30] =	ssyncadd.s32 $0xFFFFC000  }
0x64: {  	_ =	swait.ge [sflag:s31], $0x4000  }
0x65: {  	s3 =	smov.u32 s10;
	[sflag:s31] =	ssyncset.done $0x0  }
0x66: {  	s0 =	sshra.s32 s0, $0x2;
	[sflag:s31] =	ssyncadd.s32 $0xFFFFC000  }
0x67: {  	[tilespmem:s20], [sflag:$0x1] =	stream.indirect.gather [hbm4b:s1+s22], $0x80, s0, s22, $0xb8;
	[tilespmem:$0x1DA00] =	vst v63  }
0x68: {  	s3 =	sadd.s32 $0x80, s0  }
0x69: {  	[tilespmem:s26], [sflag:$0x2] =	stream.indirect.gather [hbm4b:s1+s22], $0x80, s3, s22, $0xb8;
	[tilespmem:$0x1DA00] =	vst v63  }
0x6a: {  	_ =	swait.ge [sflag:s28], $0x4000  }
0x6b: {  	[sflag:s28] =	ssyncset.done $0x0  }
0x6c: {  	s10 =	sadd.s32 $0xD00, s0;
	[sflag:s28] =	ssyncadd.s32 $0xFFFFC000  }
0x6d: {  	[spmem:s2] =	stream.indirect.scatter.add.f32 [tilespmem:s20], [sflag:$0x3], $0x80, s10, s22, $0xb8;
	[tilespmem:$0x1DA00] =	vst v63  }
0x6e: {  	_ =	swait.ge [sflag:s29], $0x4000  }
0x6f: {  	[sflag:s29] =	ssyncset.done $0x0  }
0x70: {  	s0 =	sadd.s32 $0xD80, s0;
	[sflag:s29] =	ssyncadd.s32 $0xFFFFC000  }
0x71: {  	[spmem:s2] =	stream.indirect.scatter.add.f32 [tilespmem:s26], [sflag:$0x4], $0x80, s0, s22, $0xb8;
	[tilespmem:$0x1DA00] =	vst v63  }
0x72: {  	_ =	swait.ge [sflag:s30], $0x4000  }
0x73: {  	[sflag:s30] =	ssyncset.done $0x0  }
0x74: {  	[sflag:s30] =	ssyncadd.s32 $0xFFFFC000  }
0x75: {  	_ =	swait.ge [sflag:s31], $0x4000  }
0x76: {  	[sflag:s31] =	ssyncset.done $0x0  }
0x77: {  	s3 =	simm.s32 $0x0;
	[sflag:s31] =	ssyncadd.s32 $0xFFFFC000  }
0x78: {  	[tilespmem:s3], [sflag:$0x5] =	stream.strided.gather [hbm4b:s18+s22], $0xD00, s23, s22, $0x38;
	[tilespmem:$0x1DA00] =	vst v63  }
0x79: {  	_ =	swait.ge [sflag:s21], $0xD00  }
0x7a: {  	[sflag:s21] =	ssyncset.done $0x0  }
0x7b: {  	s9 =	sadd.s32 s15, s7;
	[sflag:s21] =	ssyncadd.s32 $0xFFFFF300  }
0x7c: {  	[tilespmem:s25], [sflag:$0x5] =	stream.strided.gather [hbm4b:s9+s22], $0xD00, s23, s22, $0x38;
	[tilespmem:$0x1DA00] =	vst v63  }
0x7d: {  	_ =	swait.ge [sflag:s21], $0xD00  }
0x7e: {  	[sflag:s21] =	ssyncset.done $0x0  }
0x7f: {  	s10 =	simm.s32 $0x0;
	[sflag:s21] =	ssyncadd.s32 $0xFFFFF300  }
0x80: {  	[tilespmem:s20], [sflag:$0x1] =	stream.indirect.gather [hbm4b:s1+s22], $0x80, s10, s22, $0xb8;
	[tilespmem:$0x1DA00] =	vst v63  }
0x81: {  	s3 =	simm.s32 $0x80  }
0x82: {  	[tilespmem:s26], [sflag:$0x2] =	stream.indirect.gather [hbm4b:s1+s22], $0x80, s3, s22, $0xb8;
	[tilespmem:$0x1DA00] =	vst v63  }
0x83: {  	_ =	swait.ge [sflag:s28], $0x4000  }
0x84: {  	[sflag:s28] =	ssyncset.done $0x0  }
0x85: {  	s9 =	simm.s32 $0xD00;
	[sflag:s28] =	ssyncadd.s32 $0xFFFFC000  }
0x86: {  	[spmem:s2] =	stream.indirect.scatter.add.f32 [tilespmem:s20], [sflag:$0x3], $0x80, s9, s22, $0xb8;
	[tilespmem:$0x1DA00] =	vst v63  }
0x87: {  	_ =	swait.ge [sflag:s29], $0x4000  }
0x88: {  	[sflag:s29] =	ssyncset.done $0x0  }
0x89: {  	s10 =	simm.s32 $0xD80;
	[sflag:s29] =	ssyncadd.s32 $0xFFFFC000  }
0x8a: {  	[spmem:s2] =	stream.indirect.scatter.add.f32 [tilespmem:s26], [sflag:$0x4], $0x80, s10, s22, $0xb8;
	[tilespmem:$0x1DA00] =	vst v63  }
0x8b: {  	_ =	swait.ge [sflag:s30], $0x4000  }
0x8c: {  	[sflag:s30] =	ssyncset.done $0x0  }
0x8d: {  	[sflag:s30] =	ssyncadd.s32 $0xFFFFC000  }
0x8e: {  	_ =	swait.ge [sflag:s31], $0x4000  }
0x8f: {  	s0 =	simm.s32 $0x400;
	s3 =	simm.s32 $0x800;
	[sflag:s31] =	ssyncset.done $0x0  }
.LBB2_6:
0x90: {  	s9 =	sshra.s32 s0, $0x2  }
0x91: {  	[sflag:s31] =	ssyncadd.s32 $0xFFFFC000;
	s0 =	smov.u32 s3;
	s10 =	sadd.s32 $0x400, s3  }
0x92: {  	[tilespmem:s20], [sflag:$0x1] =	stream.indirect.gather [hbm4b:s1+s22], $0x80, s9, s22, $0xb8;
	[tilespmem:$0x1DA00] =	vst v63  }
0x93: {  	p1 =	sne.s32 s3, $0x3000;
	s3 =	sadd.s32 $0x80, s9  }
0x94: {  	[tilespmem:s26], [sflag:$0x2] =	stream.indirect.gather [hbm4b:s1+s22], $0x80, s3, s22, $0xb8;
	[tilespmem:$0x1DA00] =	vst v63  }
0x95: {  	_ =	swait.ge [sflag:s28], $0x4000  }
0x96: {  	[sflag:s28] =	ssyncset.done $0x0  }
0x97: {  	s3 =	sadd.s32 $0xD00, s9;
	[sflag:s28] =	ssyncadd.s32 $0xFFFFC000  }
0x98: {  	[spmem:s2] =	stream.indirect.scatter.add.f32 [tilespmem:s20], [sflag:$0x3], $0x80, s3, s22, $0xb8;
	[tilespmem:$0x1DA00] =	vst v63  }
0x99: {  	_ =	swait.ge [sflag:s29], $0x4000  }
0x9a: {  	[sflag:s29] =	ssyncset.done $0x0  }
0x9b: {  	s3 =	sadd.s32 $0xD80, s9;
	[sflag:s29] =	ssyncadd.s32 $0xFFFFC000  }
0x9c: {  	[spmem:s2] =	stream.indirect.scatter.add.f32 [tilespmem:s26], [sflag:$0x4], $0x80, s3, s22, $0xb8;
	[tilespmem:$0x1DA00] =	vst v63  }
.Ltmp2:
0x9d: {  	_ =	swait.ge [sflag:s30], $0x4000;
	(pc) =	sbr.rel @p1 .LBB2_6-.Ltmp2, $4  }
0x9e: {  	[sflag:s30] =	ssyncset.done $0x0  }
0x9f: {  	[sflag:s30] =	ssyncadd.s32 $0xFFFFC000  }
0xa0: {  	_ =	swait.ge [sflag:s31], $0x4000  }
0xa1: {  	s3 =	smov.u32 s10;
	[sflag:s31] =	ssyncset.done $0x0  }
0xa2: {  	s0 =	sshra.s32 s0, $0x2;
	[sflag:s31] =	ssyncadd.s32 $0xFFFFC000  }
0xa3: {  	[tilespmem:s20], [sflag:$0x1] =	stream.indirect.gather [hbm4b:s1+s22], $0x80, s0, s22, $0xb8;
	[tilespmem:$0x1DA00] =	vst v63  }
0xa4: {  	s3 =	sadd.s32 $0x80, s0  }
0xa5: {  	[tilespmem:s26], [sflag:$0x2] =	stream.indirect.gather [hbm4b:s1+s22], $0x80, s3, s22, $0xb8;
	[tilespmem:$0x1DA00] =	vst v63  }
0xa6: {  	_ =	swait.ge [sflag:s28], $0x4000  }
0xa7: {  	[sflag:s28] =	ssyncset.done $0x0  }
0xa8: {  	s10 =	sadd.s32 $0xD00, s0;
	[sflag:s28] =	ssyncadd.s32 $0xFFFFC000  }
0xa9: {  	[spmem:s2] =	stream.indirect.scatter.add.f32 [tilespmem:s20], [sflag:$0x3], $0x80, s10, s22, $0xb8;
	[tilespmem:$0x1DA00] =	vst v63  }
0xaa: {  	_ =	swait.ge [sflag:s29], $0x4000  }
0xab: {  	[sflag:s29] =	ssyncset.done $0x0  }
0xac: {  	s0 =	sadd.s32 $0xD80, s0;
	[sflag:s29] =	ssyncadd.s32 $0xFFFFC000  }
0xad: {  	[spmem:s2] =	stream.indirect.scatter.add.f32 [tilespmem:s26], [sflag:$0x4], $0x80, s0, s22, $0xb8;
	[tilespmem:$0x1DA00] =	vst v63  }
0xae: {  	_ =	swait.ge [sflag:s30], $0x4000  }
0xaf: {  	[sflag:s30] =	ssyncset.done $0x0  }
0xb0: {  	[sflag:s30] =	ssyncadd.s32 $0xFFFFC000  }
0xb1: {  	_ =	swait.ge [sflag:s31], $0x4000  }
0xb2: {  	[sflag:s31] =	ssyncset.done $0x0  }
0xb3: {  	s3 =	simm.s32 $0x0;
	[sflag:s31] =	ssyncadd.s32 $0xFFFFC000  }
0xb4: {  	[tilespmem:s3], [sflag:$0x5] =	stream.strided.gather [hbm4b:s19+s22], $0xD00, s23, s22, $0x38;
	[tilespmem:$0x1DA00] =	vst v63  }
0xb5: {  	_ =	swait.ge [sflag:s21], $0xD00  }
0xb6: {  	[sflag:s21] =	ssyncset.done $0x0  }
0xb7: {  	s9 =	sadd.s32 s16, s7;
	[sflag:s21] =	ssyncadd.s32 $0xFFFFF300  }
0xb8: {  	[tilespmem:s25], [sflag:$0x5] =	stream.strided.gather [hbm4b:s9+s22], $0xD00, s23, s22, $0x38;
	[tilespmem:$0x1DA00] =	vst v63  }
0xb9: {  	_ =	swait.ge [sflag:s21], $0xD00  }
0xba: {  	[sflag:s21] =	ssyncset.done $0x0  }
0xbb: {  	s10 =	simm.s32 $0x0;
	[sflag:s21] =	ssyncadd.s32 $0xFFFFF300  }
0xbc: {  	[tilespmem:s20], [sflag:$0x1] =	stream.indirect.gather [hbm4b:s1+s22], $0x80, s10, s22, $0xb8;
	[tilespmem:$0x1DA00] =	vst v63  }
0xbd: {  	s3 =	simm.s32 $0x80  }
0xbe: {  	[tilespmem:s26], [sflag:$0x2] =	stream.indirect.gather [hbm4b:s1+s22], $0x80, s3, s22, $0xb8;
	[tilespmem:$0x1DA00] =	vst v63  }
0xbf: {  	_ =	swait.ge [sflag:s28], $0x4000  }
0xc0: {  	[sflag:s28] =	ssyncset.done $0x0  }
0xc1: {  	s9 =	simm.s32 $0xD00;
	[sflag:s28] =	ssyncadd.s32 $0xFFFFC000  }
0xc2: {  	[spmem:s2] =	stream.indirect.scatter.add.f32 [tilespmem:s20], [sflag:$0x3], $0x80, s9, s22, $0xb8;
	[tilespmem:$0x1DA00] =	vst v63  }
0xc3: {  	_ =	swait.ge [sflag:s29], $0x4000  }
0xc4: {  	[sflag:s29] =	ssyncset.done $0x0  }
0xc5: {  	s10 =	simm.s32 $0xD80;
	[sflag:s29] =	ssyncadd.s32 $0xFFFFC000  }
0xc6: {  	[spmem:s2] =	stream.indirect.scatter.add.f32 [tilespmem:s26], [sflag:$0x4], $0x80, s10, s22, $0xb8;
	[tilespmem:$0x1DA00] =	vst v63  }
0xc7: {  	_ =	swait.ge [sflag:s30], $0x4000  }
0xc8: {  	[sflag:s30] =	ssyncset.done $0x0  }
0xc9: {  	[sflag:s30] =	ssyncadd.s32 $0xFFFFC000  }
0xca: {  	_ =	swait.ge [sflag:s31], $0x4000  }
0xcb: {  	s0 =	simm.s32 $0x400;
	s3 =	simm.s32 $0x800;
	[sflag:s31] =	ssyncset.done $0x0  }
.LBB2_8:
0xcc: {  	s9 =	sshra.s32 s0, $0x2  }
0xcd: {  	[sflag:s31] =	ssyncadd.s32 $0xFFFFC000;
	s0 =	smov.u32 s3;
	s10 =	sadd.s32 $0x400, s3  }
0xce: {  	[tilespmem:s20], [sflag:$0x1] =	stream.indirect.gather [hbm4b:s1+s22], $0x80, s9, s22, $0xb8;
	[tilespmem:$0x1DA00] =	vst v63  }
0xcf: {  	p1 =	sne.s32 s3, $0x3000;
	s3 =	sadd.s32 $0x80, s9  }
0xd0: {  	[tilespmem:s26], [sflag:$0x2] =	stream.indirect.gather [hbm4b:s1+s22], $0x80, s3, s22, $0xb8;
	[tilespmem:$0x1DA00] =	vst v63  }
0xd1: {  	_ =	swait.ge [sflag:s28], $0x4000  }
0xd2: {  	[sflag:s28] =	ssyncset.done $0x0  }
0xd3: {  	s3 =	sadd.s32 $0xD00, s9;
	[sflag:s28] =	ssyncadd.s32 $0xFFFFC000  }
0xd4: {  	[spmem:s2] =	stream.indirect.scatter.add.f32 [tilespmem:s20], [sflag:$0x3], $0x80, s3, s22, $0xb8;
	[tilespmem:$0x1DA00] =	vst v63  }
0xd5: {  	_ =	swait.ge [sflag:s29], $0x4000  }
0xd6: {  	[sflag:s29] =	ssyncset.done $0x0  }
0xd7: {  	s3 =	sadd.s32 $0xD80, s9;
	[sflag:s29] =	ssyncadd.s32 $0xFFFFC000  }
0xd8: {  	[spmem:s2] =	stream.indirect.scatter.add.f32 [tilespmem:s26], [sflag:$0x4], $0x80, s3, s22, $0xb8;
	[tilespmem:$0x1DA00] =	vst v63  }
.Ltmp3:
0xd9: {  	_ =	swait.ge [sflag:s30], $0x4000;
	(pc) =	sbr.rel @p1 .LBB2_8-.Ltmp3, $4  }
0xda: {  	[sflag:s30] =	ssyncset.done $0x0  }
0xdb: {  	[sflag:s30] =	ssyncadd.s32 $0xFFFFC000  }
0xdc: {  	_ =	swait.ge [sflag:s31], $0x4000  }
0xdd: {  	s3 =	smov.u32 s10;
	[sflag:s31] =	ssyncset.done $0x0  }
0xde: {  	s0 =	sshra.s32 s0, $0x2;
	[sflag:s31] =	ssyncadd.s32 $0xFFFFC000  }
0xdf: {  	[tilespmem:s20], [sflag:$0x1] =	stream.indirect.gather [hbm4b:s1+s22], $0x80, s0, s22, $0xb8;
	[tilespmem:$0x1DA00] =	vst v63  }
0xe0: {  	s3 =	sadd.s32 $0x80, s0  }
0xe1: {  	[tilespmem:s26], [sflag:$0x2] =	stream.indirect.gather [hbm4b:s1+s22], $0x80, s3, s22, $0xb8;
	[tilespmem:$0x1DA00] =	vst v63  }
0xe2: {  	_ =	swait.ge [sflag:s28], $0x4000  }
0xe3: {  	[sflag:s28] =	ssyncset.done $0x0  }
0xe4: {  	s10 =	sadd.s32 $0xD00, s0;
	[sflag:s28] =	ssyncadd.s32 $0xFFFFC000  }
0xe5: {  	[spmem:s2] =	stream.indirect.scatter.add.f32 [tilespmem:s20], [sflag:$0x3], $0x80, s10, s22, $0xb8;
	[tilespmem:$0x1DA00] =	vst v63  }
0xe6: {  	_ =	swait.ge [sflag:s29], $0x4000  }
0xe7: {  	[sflag:s29] =	ssyncset.done $0x0  }
0xe8: {  	s0 =	sadd.s32 $0xD80, s0;
	[sflag:s29] =	ssyncadd.s32 $0xFFFFC000  }
0xe9: {  	[spmem:s2] =	stream.indirect.scatter.add.f32 [tilespmem:s26], [sflag:$0x4], $0x80, s0, s22, $0xb8;
	[tilespmem:$0x1DA00] =	vst v63  }
0xea: {  	_ =	swait.ge [sflag:s30], $0x4000  }
0xeb: {  	[sflag:s30] =	ssyncset.done $0x0  }
0xec: {  	[sflag:s30] =	ssyncadd.s32 $0xFFFFC000  }
0xed: {  	_ =	swait.ge [sflag:s31], $0x4000  }
0xee: {  	[sflag:s31] =	ssyncset.done $0x0  }
0xef: {  	s0 =	simm.s32 @!p0 $0x0;
	s3 =	rddreg [dreg:$0x5];
	[sflag:s31] =	ssyncadd.s32 $0xFFFFC000  }
0xf0: {  	[tilespmem:s0], [sflag:$0x5] =	stream.linear.gather @!p0 [hbm4b:s3+s0], $0x80, $0x38;
	[tilespmem:$0x1DA00] =	vst v63  }
0xf1: {  	s3 =	simm.s32 @!p0 $0x5  }
0xf2: {  	_ =	swait.ge @!p0 [sflag:s3], $0x80  }
0xf3: {  	[sflag:s3] =	ssyncset.done @!p0 $0x0  }
0xf4: {  	s9 =	sadd.s32 @!p0 s8, s7;
	s10 =	simm.s32 @!p0 $0xD00;
	[sflag:s3] =	ssyncadd.s32 @!p0 $0xFFFFFF80  }
0xf5: {  	[tilespmem:s10], [sflag:$0x5] =	stream.linear.gather @!p0 [hbm4b:s9+s0], $0x80, $0x38;
	[tilespmem:$0x1DA00] =	vst v63  }
0xf6: {  	_ =	swait.ge @!p0 [sflag:s3], $0x80  }
0xf7: {  	[sflag:s3] =	ssyncset.done @!p0 $0x0  }
0xf8: {  	s9 =	simm.s32 @!p0 $0x1A00;
	[sflag:s3] =	ssyncadd.s32 @!p0 $0xFFFFFF80;
	s3 =	simm.s32 @!p0 $0x80  }
0xf9: {  	[tilespmem:s9], [sflag:$0x1] =	stream.indirect.gather @!p0 [hbm4b:s1+s3], $0x80, s0, s3, $0xb8;
	[tilespmem:$0x1DA00] =	vst v63  }
0xfa: {  	s0 =	simm.s32 @!p0 $0x1  }
0xfb: {  	_ =	swait.ge @!p0 [sflag:s0], $0x4000  }
0xfc: {  	[sflag:s0] =	ssyncset.done @!p0 $0x0  }
0xfd: {  	[sflag:s0] =	ssyncadd.s32 @!p0 $0xFFFFC000;
	s0 =	simm.s32 @!p0 $0x3  }
0xfe: {  	[spmem:s2] =	stream.indirect.scatter.add.f32 @!p0 [tilespmem:s9], [sflag:$0x3], $0x80, s10, s3, $0xb8;
	[tilespmem:$0x1DA00] =	vst v63  }
0xff: {  	_ =	swait.ge @!p0 [sflag:s0], $0x4000  }
0x100: {  	s3 =	stileid.u32;
	[sflag:s0] =	ssyncset.done @!p0 $0x0  }
0x101: {  	[sflag:s0] =	ssyncadd.s32 @!p0 $0xFFFFC000;
	s0 =	sshll.u32 s3, $0x6  }
0x102: {  	s9 =	sshrl.u32 s6, $0x3;
	[bflag:$0x0] =	sbarrier.arrive $0xFFFF;
	s0 =	sor.u32 $0x1C05, s0  }
0x103: {  	[hbm:s24], [sflag:s0] =	dma.local [spmem:s9], $0x2800  }
0x104: {  	_ =	swait.ge [sflag:s21], $0x2800  }
0x105: {  	s4 =	sadd.s32 $0x1, s4;
	s10 =	rddreg [dreg:$0x6]  }
0x106: {  	p1 =	sne.s32 s4, s10  }
.Ltmp4:
0x107: {  	_ = 	snop;
	(pc) =	sbr.rel @p1 .LBB2_1-.Ltmp4, $3  }
0x108: {  	_ =	sdelay $0x1  }
0x109: {  	[sflag:s21] =	ssyncset.done $0x0  }
0x10a: {  	[sflag:s21] =	ssyncadd.s32 $0xFFFFD800  }
0x10b: {  	_ =	sfence.sel $0x180000  }
0x10c: {  	[bflag:$0x0] =	sbarrier.arrive $0xFFFF  }
0x10d: {  	_ =	strace $0x90000047  }
0x10e: {  	s0 =	stileid.u32;
	[bflag:$0x2] =	sbarrier.arrive $0xFFFF  }
0x10f: {  	p0 =	sne.s32 s0, $0x0;
	s0 =	rddreg [dreg:$0x4]  }
0x110: {  	s0 =	sadd.s32 @!p0 $0x100000, s0  }
0x111: {  	[sflag:s0] =	ssyncadd.tile.s32 @!p0 $0x1;
	_ =	shalt  }
.Lfunc_end2:
_tile_overlayer_lowered:
.L_overlay_start_2:
0x112: {  	(tag) =	ssettag $0x2  }
0x113: {  	s0 =	rddreg [dreg:$0x0];
	s2 =	stileid.u32  }
0x114: {  	s1 =	rddreg [dreg:$0x1];
	p0 =	sne.s32 s2, $0x0  }
0x115: {  	s3 =	rddreg [dreg:$0x2];
	[bflag:$0x3] =	sbarrier.arrive $0xFFFF;
	s2 =	simm.s32 @!p0 $0x1C05  }
0x116: {  	[timem:s3], [sflag:s2] =	dma.local @!p0 [hbm:s0], s1  }
0x117: {  	s0 =	simm.s32 @!p0 $0x5  }
0x118: {  	_ =	swait.ge @!p0 [sflag:s0], s1  }
0x119: {  	s1 =	ssub.s32 @!p0 $0x0, s1;
	[sflag:s0] =	ssyncset.done @!p0 $0x0  }
0x11a: {  	[sflag:s0] =	ssyncadd.s32 @!p0 s1  }
0x11b: {  	[bflag:$0x3] =	sbarrier.arrive $0xFFFF  }
0x11c: {  	_ =	shalt  }

</sc_bundles>
